<compile_context>
chip_gen: v7x
topology: tpu7x:2x2x1
jax: 0.10.2.dev20260603
libtpu: 0.0.44.dev20260713+nightly
codegen_flags: <defaults>
</compile_context>

<pallas_src>
import functools

import jax
import jax.numpy as jnp
from jax import lax
from jax.experimental import pallas as pl
from jax.experimental.pallas import tpu as pltpu
from jax.experimental.pallas import tpu_sc as plsc

N = 10000
E = 320000
D_IN = 128
D_HID = 128
D_OUT = 64

NC = 2
NS = 16
NW = NC * NS

NPAD = 10240
ROWS_PER_TILE = NPAD // NS
G = 128
EPW = 10240
NG = EPW // G
E_PAD = EPW * NW


def _spmm_body(with_cnt, d, y_hbm, src_hbm, dst_hbm, *rest):
    if with_cnt:
        (out_hbm, cnt_hbm, src_v, dst_v, rows_v, zcol_v, ones_v,
         acc_sh, cnt_sh, sem) = rest
    else:
        (out_hbm, src_v, dst_v, rows_v, acc_sh, sem) = rest
        cnt_hbm = zcol_v = ones_v = cnt_sh = None

    cid = lax.axis_index("c")
    sid = lax.axis_index("s")
    wid = sid * NC + cid

    zero16 = jnp.zeros((16,), jnp.float32)

    def zrow(i, _):
        def zcol(j, _):
            rows_v[i, pl.ds(j * 16, 16)] = zero16
            return 0
        return lax.fori_loop(0, d // 16, zcol, 0)

    lax.fori_loop(0, G, zrow, 0)

    if with_cnt:
        def zc(j, _):
            zcol_v[pl.ds(j * 16, 16)] = zero16
            return 0
        lax.fori_loop(0, ROWS_PER_TILE // 16, zc, 0)

        one16 = jnp.ones((16,), jnp.float32)

        def oc(j, _):
            ones_v[pl.ds(j * 16, 16)] = one16
            return 0
        lax.fori_loop(0, G // 16, oc, 0)

    for k in range(ROWS_PER_TILE // G):
        pltpu.sync_copy(rows_v, acc_sh.at[pl.ds(sid * ROWS_PER_TILE + k * G, G)])
    if with_cnt:
        pltpu.sync_copy(zcol_v, cnt_sh.at[pl.ds(sid * ROWS_PER_TILE, ROWS_PER_TILE)])
    plsc.subcore_barrier()

    def group(g, _):
        base = wid * EPW + g * G
        pltpu.sync_copy(src_hbm.at[pl.ds(base, G)], src_v)
        pltpu.sync_copy(dst_hbm.at[pl.ds(base, G)], dst_v)
        pltpu.async_copy(y_hbm.at[src_v], rows_v, sem).wait()
        pltpu.sync_copy(rows_v, acc_sh.at[dst_v], add=True)
        if with_cnt:
            pltpu.sync_copy(ones_v, cnt_sh.at[dst_v], add=True)
        return 0

    lax.fori_loop(0, NG, group, 0)
    plsc.subcore_barrier()

    for k in range(ROWS_PER_TILE // G):
        r0 = sid * ROWS_PER_TILE + k * G
        pltpu.sync_copy(acc_sh.at[pl.ds(r0, G)], out_hbm.at[cid, pl.ds(r0, G)])
    if with_cnt:
        pltpu.sync_copy(cnt_sh.at[pl.ds(sid * ROWS_PER_TILE, ROWS_PER_TILE)],
                        cnt_hbm.at[cid, pl.ds(sid * ROWS_PER_TILE, ROWS_PER_TILE)])


def _make_spmm(d, with_cnt):
    mesh = plsc.VectorSubcoreMesh(core_axis_name="c", subcore_axis_name="s")
    out_type = [jax.ShapeDtypeStruct((NC, NPAD, d), jnp.float32)]
    scratch = [
        pltpu.VMEM((G,), jnp.int32),
        pltpu.VMEM((G,), jnp.int32),
        pltpu.VMEM((G, d), jnp.float32),
        pltpu.VMEM_SHARED((NPAD, d), jnp.float32),
        pltpu.SemaphoreType.DMA,
    ]
    if with_cnt:
        out_type.append(jax.ShapeDtypeStruct((NC, NPAD), jnp.float32))
        scratch = [
            pltpu.VMEM((G,), jnp.int32),
            pltpu.VMEM((G,), jnp.int32),
            pltpu.VMEM((G, d), jnp.float32),
            pltpu.VMEM((ROWS_PER_TILE,), jnp.float32),
            pltpu.VMEM((G,), jnp.float32),
            pltpu.VMEM_SHARED((NPAD, d), jnp.float32),
            pltpu.VMEM_SHARED((NPAD,), jnp.float32),
            pltpu.SemaphoreType.DMA,
        ]
    return pl.kernel(
        functools.partial(_spmm_body, with_cnt, d),
        out_type=tuple(out_type),
        mesh=mesh,
        scratch_types=scratch,
        compiler_params=pltpu.CompilerParams(use_tc_tiling_on_sc=False),
    )


def _mm2_body(x_ref, wa_ref, wb_ref, ya_ref, yb_ref):
    x = x_ref[...]
    ya_ref[...] = jnp.dot(x, wa_ref[...], preferred_element_type=jnp.float32)
    yb_ref[...] = jnp.dot(x, wb_ref[...], preferred_element_type=jnp.float32)


def _layer1_body(ys_ref, part_ref, cntp_ref, b1_ref, wn2_ref, ws2_ref,
                 yn2_ref, ys2_ref, cnt_ref):
    s1 = part_ref[0, :N, :] + part_ref[1, :N, :]
    cnt = cntp_ref[0, :N, :] + cntp_ref[1, :N, :]
    mean = s1 / jnp.maximum(cnt, 1.0)
    h1 = jnp.maximum(ys_ref[...] + mean + b1_ref[...], 0.0)
    yn2_ref[...] = jnp.dot(h1, wn2_ref[...], preferred_element_type=jnp.float32)
    ys2_ref[...] = jnp.dot(h1, ws2_ref[...], preferred_element_type=jnp.float32)
    cnt_ref[...] = cnt


def _layer2_body(ys2_ref, part2_ref, cnt_ref, b2_ref, gw_ref, gb_ref, out_ref):
    s2 = part2_ref[0, :N, :] + part2_ref[1, :N, :]
    cnt = cnt_ref[...]
    h2 = ys2_ref[...] + s2 / jnp.maximum(cnt, 1.0) + b2_ref[...]
    g = jnp.sum(h2 * gw_ref[...], axis=1, keepdims=True) + gb_ref[0, 0]
    m = jnp.max(g)
    e = jnp.exp(g - m)
    z = jnp.sum(e)
    out_ref[...] = jnp.sum(h2 * (e / z), axis=0, keepdims=True)


def kernel(features, edge_index, W_self1, W_neigh1, b1, W_self2, W_neigh2,
           b2, gate_W, gate_b):
    src = edge_index[0].astype(jnp.int32)
    dst = edge_index[1].astype(jnp.int32)
    pad = E_PAD - E
    src_p = jnp.concatenate([src, jnp.zeros((pad,), jnp.int32)])
    dst_p = jnp.concatenate([dst, jnp.full((pad,), N, jnp.int32)])

    f32 = jnp.float32
    sds = jax.ShapeDtypeStruct

    yn1, ys1 = pl.pallas_call(
        _mm2_body,
        out_shape=(sds((N, D_HID), f32), sds((N, D_HID), f32)),
    )(features, W_neigh1, W_self1)

    part1, cntp = _make_spmm(D_HID, True)(yn1, src_p, dst_p)
    cntp = cntp.reshape(NC, NPAD, 1)

    yn2, ys2, cnt = pl.pallas_call(
        _layer1_body,
        out_shape=(sds((N, D_OUT), f32), sds((N, D_OUT), f32), sds((N, 1), f32)),
    )(ys1, part1, cntp, b1.reshape(1, D_HID), W_neigh2, W_self2)

    (part2,) = _make_spmm(D_OUT, False)(yn2, src_p, dst_p)

    out = pl.pallas_call(
        _layer2_body,
        out_shape=sds((1, D_OUT), f32),
    )(ys2, part2, cnt, b2.reshape(1, D_OUT), gate_W.reshape(1, D_OUT),
      gate_b.reshape(1, 1))
    return out

# --- scband reference (transcript-rebuilt; emitter-appended) ---
"""Pipeline reference for scband-sentence-graph-model-56341380989569 (READ-ONLY COPY).

The authoritative reference and input builder live on the scoring server;
editing this copy changes nothing except your own understanding.
"""

import jax, jax.numpy as jnp
import numpy as np

N = 10000
E = 320000
D_IN = 128
D_HID = 128
D_OUT = 64


def setup_inputs(seed: int = 0) -> dict:
    key = jax.random.key(seed)
    ks = jax.random.split(key, 12)
    features = jax.random.normal(ks[0], (N, D_IN), dtype=jnp.float32)
    edge_index = jax.random.randint(ks[1], (2, E), 0, N, dtype=jnp.int64)
    s1 = 1.0 / np.sqrt(D_IN)
    s2 = 1.0 / np.sqrt(D_HID)
    s3 = 1.0 / np.sqrt(D_OUT)
    W_self1 = jax.random.uniform(ks[2], (D_IN, D_HID), jnp.float32, -s1, s1)
    W_neigh1 = jax.random.uniform(ks[3], (D_IN, D_HID), jnp.float32, -s1, s1)
    b1 = jax.random.uniform(ks[4], (D_HID,), jnp.float32, -s1, s1)
    W_self2 = jax.random.uniform(ks[5], (D_HID, D_OUT), jnp.float32, -s2, s2)
    W_neigh2 = jax.random.uniform(ks[6], (D_HID, D_OUT), jnp.float32, -s2, s2)
    b2 = jax.random.uniform(ks[7], (D_OUT,), jnp.float32, -s2, s2)
    gate_W = jax.random.uniform(ks[8], (D_OUT, 1), jnp.float32, -s3, s3)
    gate_b = jax.random.uniform(ks[9], (1,), jnp.float32, -s3, s3)
    return {
        "features": features,
        "edge_index": edge_index,
        "W_self1": W_self1,
        "W_neigh1": W_neigh1,
        "b1": b1,
        "W_self2": W_self2,
        "W_neigh2": W_neigh2,
        "b2": b2,
        "gate_W": gate_W,
        "gate_b": gate_b,
    }


def _sage_mean(x, src, dst, W_self, W_neigh, b):
    # DGL SAGEConv with 'mean' aggregator: fc_self(h) + fc_neigh(mean_neigh(h)) + bias
    msgs = jnp.take(x, src, axis=0)
    agg = jax.ops.segment_sum(msgs, dst, num_segments=N)
    cnt = jax.ops.segment_sum(jnp.ones((src.shape[0], 1), dtype=x.dtype), dst, num_segments=N)
    mean_neigh = agg / jnp.maximum(cnt, 1.0)
    return x @ W_self + mean_neigh @ W_neigh + b


def reference(features, edge_index, W_self1, W_neigh1, b1, W_self2, W_neigh2, b2, gate_W, gate_b):
    src = edge_index[0]
    dst = edge_index[1]
    h = _sage_mean(features, src, dst, W_self1, W_neigh1, b1)
    h = jax.nn.relu(h)
    h = _sage_mean(h, src, dst, W_self2, W_neigh2, b2)
    # GlobalAttentionPooling over the single graph (all N nodes in one segment)
    gate = h @ gate_W + gate_b  # [N, 1]
    attn = jax.nn.softmax(gate, axis=0)  # softmax over nodes
    readout = jnp.sum(attn * h, axis=0, keepdims=True)  # [1, D_OUT]
    return readout

if __name__ == "__main__":
    import jax
    _d = setup_inputs()
    print(jax.jit(kernel)(*tuple(_d.values())))

</pallas_src>

<mosaic_0001>
#map = affine_map<(d0, d1) -> (0, 0)>
#map1 = affine_map<(d0, d1) -> (0)>
#map2 = affine_map<(d0, d1) -> (0, 0, 0)>
module attributes {stable_mosaic.version = 14 : i64} {
  func.func @_spmm_body(%arg0: i32, %arg1: i32, %arg2: memref<10000x128xf32, #tpu.memory_space<hbm>>, %arg3: memref<327680xi32, #tpu.memory_space<hbm>>, %arg4: memref<327680xi32, #tpu.memory_space<hbm>>, %arg5: memref<2x10240x128xf32, #tpu.memory_space<hbm>>, %arg6: memref<2x10240xf32, #tpu.memory_space<hbm>>, %arg7: memref<128xi32, #tpu.memory_space<vmem>>, %arg8: memref<128xi32, #tpu.memory_space<vmem>>, %arg9: memref<128x128xf32, #tpu.memory_space<vmem>>, %arg10: memref<640xf32, #tpu.memory_space<vmem>>, %arg11: memref<128xf32, #tpu.memory_space<vmem>>, %arg12: memref<10240x128xf32, #tpu.memory_space<vmem_shared>>, %arg13: memref<10240xf32, #tpu.memory_space<vmem_shared>>, %arg14: memref<!tpu.dma_semaphore, #tpu.memory_space<semaphore_mem>>) attributes {dimension_semantics = [#tpu.dimension_semantics<core_parallel>, #tpu.dimension_semantics<subcore_parallel>], iteration_bounds = array<i64: 2, 16>, scalar_prefetch = 0 : i64, scratch_operands = 8 : i64, tpu.core_type = #tpu.core_type<sc_vector_subcore>, window_params = [{transform_indices = #map}, {transform_indices = #map1}, {transform_indices = #map1}, {transform_indices = #map2}, {transform_indices = #map}]} {
    %mul3A = arith.constant 2 : i32
    %mul3A_0 = arith.muli %arg1, %mul3A : i32
    %add3A = arith.addi %mul3A_0, %arg0 : i32
    %broadcast_in_dim3A = arith.constant 0.000000e+00 : f32
    %broadcast_in_dim3A_1 = vector.broadcast %broadcast_in_dim3A : f32 to vector<16xf32>
    %scan3A = arith.constant 0 : i32
    %scan3A_2 = arith.constant 0 : i32
    %scan3A_3 = arith.constant 128 : i32
    %scan3A_4 = arith.addi %scan3A_2, %scan3A_3 : i32
    %scan3A_5 = arith.constant 1 : i32
    %scan3A_6 = scf.for %scan3A_78 = %scan3A_2 to %scan3A_4 step %scan3A_5 iter_args(%scan3A_79 = %scan3A) -> (i32)  : i32 {
      %scan3A_80 = arith.constant 0 : i32
      %scan3A_81 = arith.constant 0 : i32
      %scan3A_82 = arith.constant 8 : i32
      %scan3A_83 = arith.addi %scan3A_81, %scan3A_82 : i32
      %scan3A_84 = arith.constant 1 : i32
      %scan3A_85 = scf.for %scan3A_87 = %scan3A_81 to %scan3A_83 step %scan3A_84 iter_args(%scan3A_88 = %scan3A_80) -> (i32)  : i32 {
        %mul3A_89 = arith.constant 16 : i32
        %mul3A_90 = arith.muli %scan3A_87, %mul3A_89 : i32
        %swap3A = arith.index_cast %scan3A_78 : i32 to index
        %swap3A_91 = arith.index_cast %mul3A_90 : i32 to index
        %swap3A_92 = tpu.vector_load %arg9[%swap3A, %swap3A_91] {strides = array<i32>} : memref<128x128xf32, #tpu.memory_space<vmem>>, vector<1x16xf32>,
        %swap3A_93 = vector.shape_cast %swap3A_92 : vector<1x16xf32> to vector<16xf32>
        %swap3A_94 = vector.shape_cast %broadcast_in_dim3A_1 : vector<16xf32> to vector<1x16xf32>
        tpu.vector_store %arg9[%swap3A, %swap3A_91], %swap3A_94 {strides = array<i32>} : memref<128x128xf32, #tpu.memory_space<vmem>>, vector<1x16xf32>,
        %scan3A_95 = arith.constant 0 : i32
        scf.yield %scan3A_95 : i32
      }
      %scan3A_86 = arith.constant 8 : i32
      scf.yield %scan3A_85 : i32
    }
    %scan3A_7 = arith.constant 128 : i32
    %scan3A_8 = arith.constant 0 : i32
    %scan3A_9 = arith.constant 0 : i32
    %scan3A_10 = arith.constant 40 : i32
    %scan3A_11 = arith.addi %scan3A_9, %scan3A_10 : i32
    %scan3A_12 = arith.constant 1 : i32
    %scan3A_13 = scf.for %scan3A_78 = %scan3A_9 to %scan3A_11 step %scan3A_12 iter_args(%scan3A_79 = %scan3A_8) -> (i32)  : i32 {
      %mul3A_80 = arith.constant 16 : i32
      %mul3A_81 = arith.muli %scan3A_78, %mul3A_80 : i32
      %swap3A = arith.index_cast %mul3A_81 : i32 to index
      %swap3A_82 = tpu.vector_load %arg10[%swap3A] {strides = array<i32>} : memref<640xf32, #tpu.memory_space<vmem>>, vector<16xf32>,
      %swap3A_83 = vector.shape_cast %swap3A_82 : vector<16xf32> to vector<16xf32>
      %swap3A_84 = vector.shape_cast %broadcast_in_dim3A_1 : vector<16xf32> to vector<16xf32>
      tpu.vector_store %arg10[%swap3A], %swap3A_84 {strides = array<i32>} : memref<640xf32, #tpu.memory_space<vmem>>, vector<16xf32>,
      %scan3A_85 = arith.constant 0 : i32
      scf.yield %scan3A_85 : i32
    }
    %scan3A_14 = arith.constant 40 : i32
    %broadcast_in_dim3A_15 = arith.constant 1.000000e+00 : f32
    %broadcast_in_dim3A_16 = vector.broadcast %broadcast_in_dim3A_15 : f32 to vector<16xf32>
    %scan3A_17 = arith.constant 0 : i32
    %scan3A_18 = arith.constant 0 : i32
    %scan3A_19 = arith.constant 8 : i32
    %scan3A_20 = arith.addi %scan3A_18, %scan3A_19 : i32
    %scan3A_21 = arith.constant 1 : i32
    %scan3A_22 = scf.for %scan3A_78 = %scan3A_18 to %scan3A_20 step %scan3A_21 iter_args(%scan3A_79 = %scan3A_17) -> (i32)  : i32 {
      %mul3A_80 = arith.constant 16 : i32
      %mul3A_81 = arith.muli %scan3A_78, %mul3A_80 : i32
      %swap3A = arith.index_cast %mul3A_81 : i32 to index
      %swap3A_82 = tpu.vector_load %arg11[%swap3A] {strides = array<i32>} : memref<128xf32, #tpu.memory_space<vmem>>, vector<16xf32>,
      %swap3A_83 = vector.shape_cast %swap3A_82 : vector<16xf32> to vector<16xf32>
      %swap3A_84 = vector.shape_cast %broadcast_in_dim3A_16 : vector<16xf32> to vector<16xf32>
      tpu.vector_store %arg11[%swap3A], %swap3A_84 {strides = array<i32>} : memref<128xf32, #tpu.memory_space<vmem>>, vector<16xf32>,
      %scan3A_85 = arith.constant 0 : i32
      scf.yield %scan3A_85 : i32
    }
    %scan3A_23 = arith.constant 8 : i32
    %mul3A_24 = arith.constant 640 : i32
    %mul3A_25 = arith.muli %arg1, %mul3A_24 : i32
    %add3A_26 = arith.constant 0 : i32
    %add3A_27 = arith.addi %mul3A_25, %add3A_26 : i32
    "tpu.region"() ({
      %run_scoped3A = tpu.sem_alloc : memref<!tpu.dma_semaphore, #tpu.memory_space<semaphore_mem>>
      %dma_start3A = arith.constant 0 : i32
      %dma_start3A_78 = tpu.memref_slice %arg12[%add3A_27, %dma_start3A] : memref<10240x128xf32, #tpu.memory_space<vmem_shared>> -> memref<128x128xf32, #tpu.memory_space<vmem_shared>>
      %dma_start3A_79 = arith.constant 0 : i32
      %dma_start3A_80 = tpu.memref_slice %arg12[%add3A_27, %dma_start3A_79] : memref<10240x128xf32, #tpu.memory_space<vmem_shared>> -> memref<128x128xf32, #tpu.memory_space<vmem_shared>>
      tpu.enqueue_dma source(%arg9 : memref<128x128xf32, #tpu.memory_space<vmem>>) target(%dma_start3A_80 : memref<128x128xf32, #tpu.memory_space<vmem_shared>>) target_semaphore(%run_scoped3A : memref<!tpu.dma_semaphore, #tpu.memory_space<semaphore_mem>>)
      %dma_wait3A = arith.constant 0 : i32
      %dma_wait3A_81 = tpu.memref_slice %arg12[%add3A_27, %dma_wait3A] : memref<10240x128xf32, #tpu.memory_space<vmem_shared>> -> memref<128x128xf32, #tpu.memory_space<vmem_shared>>
      %dma_wait3A_82 = arith.constant 0 : i32
      %dma_wait3A_83 = tpu.memref_slice %arg12[%add3A_27, %dma_wait3A_82] : memref<10240x128xf32, #tpu.memory_space<vmem_shared>> -> memref<128x128xf32, #tpu.memory_space<vmem_shared>>
      tpu.wait_dma2 semaphore(%run_scoped3A : memref<!tpu.dma_semaphore, #tpu.memory_space<semaphore_mem>>) src(%arg9 : memref<128x128xf32, #tpu.memory_space<vmem>>) dst(%dma_wait3A_83 : memref<128x128xf32, #tpu.memory_space<vmem_shared>>)
      tpu.yield
    }) : () -> ()
    %mul3A_28 = arith.constant 640 : i32
    %mul3A_29 = arith.muli %arg1, %mul3A_28 : i32
    %add3A_30 = arith.constant 128 : i32
    %add3A_31 = arith.addi %mul3A_29, %add3A_30 : i32
    "tpu.region"() ({
      %run_scoped3A = tpu.sem_alloc : memref<!tpu.dma_semaphore, #tpu.memory_space<semaphore_mem>>
      %dma_start3A = arith.constant 0 : i32
      %dma_start3A_78 = tpu.memref_slice %arg12[%add3A_31, %dma_start3A] : memref<10240x128xf32, #tpu.memory_space<vmem_shared>> -> memref<128x128xf32, #tpu.memory_space<vmem_shared>>
      %dma_start3A_79 = arith.constant 0 : i32
      %dma_start3A_80 = tpu.memref_slice %arg12[%add3A_31, %dma_start3A_79] : memref<10240x128xf32, #tpu.memory_space<vmem_shared>> -> memref<128x128xf32, #tpu.memory_space<vmem_shared>>
      tpu.enqueue_dma source(%arg9 : memref<128x128xf32, #tpu.memory_space<vmem>>) target(%dma_start3A_80 : memref<128x128xf32, #tpu.memory_space<vmem_shared>>) target_semaphore(%run_scoped3A : memref<!tpu.dma_semaphore, #tpu.memory_space<semaphore_mem>>)
      %dma_wait3A = arith.constant 0 : i32
      %dma_wait3A_81 = tpu.memref_slice %arg12[%add3A_31, %dma_wait3A] : memref<10240x128xf32, #tpu.memory_space<vmem_shared>> -> memref<128x128xf32, #tpu.memory_space<vmem_shared>>
      %dma_wait3A_82 = arith.constant 0 : i32
      %dma_wait3A_83 = tpu.memref_slice %arg12[%add3A_31, %dma_wait3A_82] : memref<10240x128xf32, #tpu.memory_space<vmem_shared>> -> memref<128x128xf32, #tpu.memory_space<vmem_shared>>
      tpu.wait_dma2 semaphore(%run_scoped3A : memref<!tpu.dma_semaphore, #tpu.memory_space<semaphore_mem>>) src(%arg9 : memref<128x128xf32, #tpu.memory_space<vmem>>) dst(%dma_wait3A_83 : memref<128x128xf32, #tpu.memory_space<vmem_shared>>)
      tpu.yield
    }) : () -> ()
    %mul3A_32 = arith.constant 640 : i32
    %mul3A_33 = arith.muli %arg1, %mul3A_32 : i32
    %add3A_34 = arith.constant 256 : i32
    %add3A_35 = arith.addi %mul3A_33, %add3A_34 : i32
    "tpu.region"() ({
      %run_scoped3A = tpu.sem_alloc : memref<!tpu.dma_semaphore, #tpu.memory_space<semaphore_mem>>
      %dma_start3A = arith.constant 0 : i32
      %dma_start3A_78 = tpu.memref_slice %arg12[%add3A_35, %dma_start3A] : memref<10240x128xf32, #tpu.memory_space<vmem_shared>> -> memref<128x128xf32, #tpu.memory_space<vmem_shared>>
      %dma_start3A_79 = arith.constant 0 : i32
      %dma_start3A_80 = tpu.memref_slice %arg12[%add3A_35, %dma_start3A_79] : memref<10240x128xf32, #tpu.memory_space<vmem_shared>> -> memref<128x128xf32, #tpu.memory_space<vmem_shared>>
      tpu.enqueue_dma source(%arg9 : memref<128x128xf32, #tpu.memory_space<vmem>>) target(%dma_start3A_80 : memref<128x128xf32, #tpu.memory_space<vmem_shared>>) target_semaphore(%run_scoped3A : memref<!tpu.dma_semaphore, #tpu.memory_space<semaphore_mem>>)
      %dma_wait3A = arith.constant 0 : i32
      %dma_wait3A_81 = tpu.memref_slice %arg12[%add3A_35, %dma_wait3A] : memref<10240x128xf32, #tpu.memory_space<vmem_shared>> -> memref<128x128xf32, #tpu.memory_space<vmem_shared>>
      %dma_wait3A_82 = arith.constant 0 : i32
      %dma_wait3A_83 = tpu.memref_slice %arg12[%add3A_35, %dma_wait3A_82] : memref<10240x128xf32, #tpu.memory_space<vmem_shared>> -> memref<128x128xf32, #tpu.memory_space<vmem_shared>>
      tpu.wait_dma2 semaphore(%run_scoped3A : memref<!tpu.dma_semaphore, #tpu.memory_space<semaphore_mem>>) src(%arg9 : memref<128x128xf32, #tpu.memory_space<vmem>>) dst(%dma_wait3A_83 : memref<128x128xf32, #tpu.memory_space<vmem_shared>>)
      tpu.yield
    }) : () -> ()
    %mul3A_36 = arith.constant 640 : i32
    %mul3A_37 = arith.muli %arg1, %mul3A_36 : i32
    %add3A_38 = arith.constant 384 : i32
    %add3A_39 = arith.addi %mul3A_37, %add3A_38 : i32
    "tpu.region"() ({
      %run_scoped3A = tpu.sem_alloc : memref<!tpu.dma_semaphore, #tpu.memory_space<semaphore_mem>>
      %dma_start3A = arith.constant 0 : i32
      %dma_start3A_78 = tpu.memref_slice %arg12[%add3A_39, %dma_start3A] : memref<10240x128xf32, #tpu.memory_space<vmem_shared>> -> memref<128x128xf32, #tpu.memory_space<vmem_shared>>
      %dma_start3A_79 = arith.constant 0 : i32
      %dma_start3A_80 = tpu.memref_slice %arg12[%add3A_39, %dma_start3A_79] : memref<10240x128xf32, #tpu.memory_space<vmem_shared>> -> memref<128x128xf32, #tpu.memory_space<vmem_shared>>
      tpu.enqueue_dma source(%arg9 : memref<128x128xf32, #tpu.memory_space<vmem>>) target(%dma_start3A_80 : memref<128x128xf32, #tpu.memory_space<vmem_shared>>) target_semaphore(%run_scoped3A : memref<!tpu.dma_semaphore, #tpu.memory_space<semaphore_mem>>)
      %dma_wait3A = arith.constant 0 : i32
      %dma_wait3A_81 = tpu.memref_slice %arg12[%add3A_39, %dma_wait3A] : memref<10240x128xf32, #tpu.memory_space<vmem_shared>> -> memref<128x128xf32, #tpu.memory_space<vmem_shared>>
      %dma_wait3A_82 = arith.constant 0 : i32
      %dma_wait3A_83 = tpu.memref_slice %arg12[%add3A_39, %dma_wait3A_82] : memref<10240x128xf32, #tpu.memory_space<vmem_shared>> -> memref<128x128xf32, #tpu.memory_space<vmem_shared>>
      tpu.wait_dma2 semaphore(%run_scoped3A : memref<!tpu.dma_semaphore, #tpu.memory_space<semaphore_mem>>) src(%arg9 : memref<128x128xf32, #tpu.memory_space<vmem>>) dst(%dma_wait3A_83 : memref<128x128xf32, #tpu.memory_space<vmem_shared>>)
      tpu.yield
    }) : () -> ()
    %mul3A_40 = arith.constant 640 : i32
    %mul3A_41 = arith.muli %arg1, %mul3A_40 : i32
    %add3A_42 = arith.constant 512 : i32
    %add3A_43 = arith.addi %mul3A_41, %add3A_42 : i32
    "tpu.region"() ({
      %run_scoped3A = tpu.sem_alloc : memref<!tpu.dma_semaphore, #tpu.memory_space<semaphore_mem>>
      %dma_start3A = arith.constant 0 : i32
      %dma_start3A_78 = tpu.memref_slice %arg12[%add3A_43, %dma_start3A] : memref<10240x128xf32, #tpu.memory_space<vmem_shared>> -> memref<128x128xf32, #tpu.memory_space<vmem_shared>>
      %dma_start3A_79 = arith.constant 0 : i32
      %dma_start3A_80 = tpu.memref_slice %arg12[%add3A_43, %dma_start3A_79] : memref<10240x128xf32, #tpu.memory_space<vmem_shared>> -> memref<128x128xf32, #tpu.memory_space<vmem_shared>>
      tpu.enqueue_dma source(%arg9 : memref<128x128xf32, #tpu.memory_space<vmem>>) target(%dma_start3A_80 : memref<128x128xf32, #tpu.memory_space<vmem_shared>>) target_semaphore(%run_scoped3A : memref<!tpu.dma_semaphore, #tpu.memory_space<semaphore_mem>>)
      %dma_wait3A = arith.constant 0 : i32
      %dma_wait3A_81 = tpu.memref_slice %arg12[%add3A_43, %dma_wait3A] : memref<10240x128xf32, #tpu.memory_space<vmem_shared>> -> memref<128x128xf32, #tpu.memory_space<vmem_shared>>
      %dma_wait3A_82 = arith.constant 0 : i32
      %dma_wait3A_83 = tpu.memref_slice %arg12[%add3A_43, %dma_wait3A_82] : memref<10240x128xf32, #tpu.memory_space<vmem_shared>> -> memref<128x128xf32, #tpu.memory_space<vmem_shared>>
      tpu.wait_dma2 semaphore(%run_scoped3A : memref<!tpu.dma_semaphore, #tpu.memory_space<semaphore_mem>>) src(%arg9 : memref<128x128xf32, #tpu.memory_space<vmem>>) dst(%dma_wait3A_83 : memref<128x128xf32, #tpu.memory_space<vmem_shared>>)
      tpu.yield
    }) : () -> ()
    %mul3A_44 = arith.constant 640 : i32
    %mul3A_45 = arith.muli %arg1, %mul3A_44 : i32
    "tpu.region"() ({
      %run_scoped3A = tpu.sem_alloc : memref<!tpu.dma_semaphore, #tpu.memory_space<semaphore_mem>>
      %dma_start3A = tpu.memref_slice %arg13[%mul3A_45] : memref<10240xf32, #tpu.memory_space<vmem_shared>> -> memref<640xf32, #tpu.memory_space<vmem_shared>>
      %dma_start3A_78 = tpu.memref_slice %arg13[%mul3A_45] : memref<10240xf32, #tpu.memory_space<vmem_shared>> -> memref<640xf32, #tpu.memory_space<vmem_shared>>
      tpu.enqueue_dma source(%arg10 : memref<640xf32, #tpu.memory_space<vmem>>) target(%dma_start3A_78 : memref<640xf32, #tpu.memory_space<vmem_shared>>) target_semaphore(%run_scoped3A : memref<!tpu.dma_semaphore, #tpu.memory_space<semaphore_mem>>)
      %dma_wait3A = tpu.memref_slice %arg13[%mul3A_45] : memref<10240xf32, #tpu.memory_space<vmem_shared>> -> memref<640xf32, #tpu.memory_space<vmem_shared>>
      %dma_wait3A_79 = tpu.memref_slice %arg13[%mul3A_45] : memref<10240xf32, #tpu.memory_space<vmem_shared>> -> memref<640xf32, #tpu.memory_space<vmem_shared>>
      tpu.wait_dma2 semaphore(%run_scoped3A : memref<!tpu.dma_semaphore, #tpu.memory_space<semaphore_mem>>) src(%arg10 : memref<640xf32, #tpu.memory_space<vmem>>) dst(%dma_wait3A_79 : memref<640xf32, #tpu.memory_space<vmem_shared>>)
      tpu.yield
    }) : () -> ()
    %barrier3A = arith.constant 0 : index
    tpu.barrier barrier_id(%barrier3A)
    %scan3A_46 = arith.constant 0 : i32
    %scan3A_47 = arith.constant 0 : i32
    %scan3A_48 = arith.constant 80 : i32
    %scan3A_49 = arith.addi %scan3A_47, %scan3A_48 : i32
    %scan3A_50 = arith.constant 1 : i32
    %scan3A_51 = scf.for %scan3A_78 = %scan3A_47 to %scan3A_49 step %scan3A_50 iter_args(%scan3A_79 = %scan3A_46) -> (i32)  : i32 {
      %mul3A_80 = arith.constant 10240 : i32
      %mul3A_81 = arith.muli %add3A, %mul3A_80 : i32
      %mul3A_82 = arith.constant 128 : i32
      %mul3A_83 = arith.muli %scan3A_78, %mul3A_82 : i32
      %add3A_84 = arith.addi %mul3A_81, %mul3A_83 : i32
      "tpu.region"() ({
        %run_scoped3A = tpu.sem_alloc : memref<!tpu.dma_semaphore, #tpu.memory_space<semaphore_mem>>
        %dma_start3A_90 = tpu.memref_slice %arg3[%add3A_84] : memref<327680xi32, #tpu.memory_space<hbm>> -> memref<128xi32, #tpu.memory_space<hbm>>
        %dma_start3A_91 = tpu.memref_slice %arg3[%add3A_84] : memref<327680xi32, #tpu.memory_space<hbm>> -> memref<128xi32, #tpu.memory_space<hbm>>
        tpu.enqueue_dma source(%dma_start3A_91 : memref<128xi32, #tpu.memory_space<hbm>>) target(%arg7 : memref<128xi32, #tpu.memory_space<vmem>>) target_semaphore(%run_scoped3A : memref<!tpu.dma_semaphore, #tpu.memory_space<semaphore_mem>>)
        %dma_wait3A_92 = tpu.memref_slice %arg3[%add3A_84] : memref<327680xi32, #tpu.memory_space<hbm>> -> memref<128xi32, #tpu.memory_space<hbm>>
        %dma_wait3A_93 = tpu.memref_slice %arg3[%add3A_84] : memref<327680xi32, #tpu.memory_space<hbm>> -> memref<128xi32, #tpu.memory_space<hbm>>
        tpu.wait_dma2 semaphore(%run_scoped3A : memref<!tpu.dma_semaphore, #tpu.memory_space<semaphore_mem>>) src(%dma_wait3A_93 : memref<128xi32, #tpu.memory_space<hbm>>) dst(%arg7 : memref<128xi32, #tpu.memory_space<vmem>>)
        tpu.yield
      }) : () -> ()
      "tpu.region"() ({
        %run_scoped3A = tpu.sem_alloc : memref<!tpu.dma_semaphore, #tpu.memory_space<semaphore_mem>>
        %dma_start3A_90 = tpu.memref_slice %arg4[%add3A_84] : memref<327680xi32, #tpu.memory_space<hbm>> -> memref<128xi32, #tpu.memory_space<hbm>>
        %dma_start3A_91 = tpu.memref_slice %arg4[%add3A_84] : memref<327680xi32, #tpu.memory_space<hbm>> -> memref<128xi32, #tpu.memory_space<hbm>>
        tpu.enqueue_dma source(%dma_start3A_91 : memref<128xi32, #tpu.memory_space<hbm>>) target(%arg8 : memref<128xi32, #tpu.memory_space<vmem>>) target_semaphore(%run_scoped3A : memref<!tpu.dma_semaphore, #tpu.memory_space<semaphore_mem>>)
        %dma_wait3A_92 = tpu.memref_slice %arg4[%add3A_84] : memref<327680xi32, #tpu.memory_space<hbm>> -> memref<128xi32, #tpu.memory_space<hbm>>
        %dma_wait3A_93 = tpu.memref_slice %arg4[%add3A_84] : memref<327680xi32, #tpu.memory_space<hbm>> -> memref<128xi32, #tpu.memory_space<hbm>>
        tpu.wait_dma2 semaphore(%run_scoped3A : memref<!tpu.dma_semaphore, #tpu.memory_space<semaphore_mem>>) src(%dma_wait3A_93 : memref<128xi32, #tpu.memory_space<hbm>>) dst(%arg8 : memref<128xi32, #tpu.memory_space<vmem>>)
        tpu.yield
      }) : () -> ()
      %dma_start3A = arith.constant 0 : i32
      %dma_start3A_85 = arith.constant 0 : i32
      %dma_start3A_86 = tpu.memref_slice %arg2[%dma_start3A, %dma_start3A_85] : memref<10000x128xf32, #tpu.memory_space<hbm>> -> memref<10000x128xf32, #tpu.memory_space<hbm>>
      tpu.enqueue_indirect_dma source(%dma_start3A_86 : memref<10000x128xf32, #tpu.memory_space<hbm>>) target(%arg9 : memref<128x128xf32, #tpu.memory_space<vmem>>) offsets(%arg7 : memref<128xi32, #tpu.memory_space<vmem>>) semaphore(%arg14 : memref<!tpu.dma_semaphore, #tpu.memory_space<semaphore_mem>>)
      %dma_wait3A = arith.constant 0 : i32
      %dma_wait3A_87 = arith.constant 0 : i32
      %dma_wait3A_88 = tpu.memref_slice %arg2[%dma_wait3A, %dma_wait3A_87] : memref<10000x128xf32, #tpu.memory_space<hbm>> -> memref<10000x128xf32, #tpu.memory_space<hbm>>
      tpu.wait_indirect_dma semaphore(%arg14 : memref<!tpu.dma_semaphore, #tpu.memory_space<semaphore_mem>>) src(%dma_wait3A_88 : memref<10000x128xf32, #tpu.memory_space<hbm>>) dst(%arg9 : memref<128x128xf32, #tpu.memory_space<vmem>>)
      "tpu.region"() ({
        %run_scoped3A = tpu.sem_alloc : memref<!tpu.dma_semaphore, #tpu.memory_space<semaphore_mem>>
        %dma_start3A_90 = arith.constant 0 : i32
        %dma_start3A_91 = arith.constant 0 : i32
        %dma_start3A_92 = tpu.memref_slice %arg12[%dma_start3A_90, %dma_start3A_91] : memref<10240x128xf32, #tpu.memory_space<vmem_shared>> -> memref<10240x128xf32, #tpu.memory_space<vmem_shared>>
        tpu.enqueue_indirect_dma source(%arg9 : memref<128x128xf32, #tpu.memory_space<vmem>>) target(%dma_start3A_92 : memref<10240x128xf32, #tpu.memory_space<vmem_shared>>) offsets(%arg8 : memref<128xi32, #tpu.memory_space<vmem>>) semaphore(%run_scoped3A : memref<!tpu.dma_semaphore, #tpu.memory_space<semaphore_mem>>) {add = true}
        %dma_wait3A_93 = arith.constant 0 : i32
        %dma_wait3A_94 = arith.constant 0 : i32
        %dma_wait3A_95 = tpu.memref_slice %arg12[%dma_wait3A_93, %dma_wait3A_94] : memref<10240x128xf32, #tpu.memory_space<vmem_shared>> -> memref<10240x128xf32, #tpu.memory_space<vmem_shared>>
        tpu.wait_indirect_dma semaphore(%run_scoped3A : memref<!tpu.dma_semaphore, #tpu.memory_space<semaphore_mem>>) src(%arg9 : memref<128x128xf32, #tpu.memory_space<vmem>>) dst(%dma_wait3A_95 : memref<10240x128xf32, #tpu.memory_space<vmem_shared>>)
        tpu.yield
      }) : () -> ()
      "tpu.region"() ({
        %run_scoped3A = tpu.sem_alloc : memref<!tpu.dma_semaphore, #tpu.memory_space<semaphore_mem>>
        %dma_start3A_90 = arith.constant 0 : i32
        %dma_start3A_91 = tpu.memref_slice %arg13[%dma_start3A_90] : memref<10240xf32, #tpu.memory_space<vmem_shared>> -> memref<10240xf32, #tpu.memory_space<vmem_shared>>
        tpu.enqueue_indirect_dma source(%arg11 : memref<128xf32, #tpu.memory_space<vmem>>) target(%dma_start3A_91 : memref<10240xf32, #tpu.memory_space<vmem_shared>>) offsets(%arg8 : memref<128xi32, #tpu.memory_space<vmem>>) semaphore(%run_scoped3A : memref<!tpu.dma_semaphore, #tpu.memory_space<semaphore_mem>>) {add = true}
        %dma_wait3A_92 = arith.constant 0 : i32
        %dma_wait3A_93 = tpu.memref_slice %arg13[%dma_wait3A_92] : memref<10240xf32, #tpu.memory_space<vmem_shared>> -> memref<10240xf32, #tpu.memory_space<vmem_shared>>
        tpu.wait_indirect_dma semaphore(%run_scoped3A : memref<!tpu.dma_semaphore, #tpu.memory_space<semaphore_mem>>) src(%arg11 : memref<128xf32, #tpu.memory_space<vmem>>) dst(%dma_wait3A_93 : memref<10240xf32, #tpu.memory_space<vmem_shared>>)
        tpu.yield
      }) : () -> ()
      %scan3A_89 = arith.constant 0 : i32
      scf.yield %scan3A_89 : i32
    }
    %scan3A_52 = arith.constant 80 : i32
    %barrier3A_53 = arith.constant 0 : index
    tpu.barrier barrier_id(%barrier3A_53)
    %mul3A_54 = arith.constant 640 : i32
    %mul3A_55 = arith.muli %arg1, %mul3A_54 : i32
    %add3A_56 = arith.constant 0 : i32
    %add3A_57 = arith.addi %mul3A_55, %add3A_56 : i32
    "tpu.region"() ({
      %run_scoped3A = tpu.sem_alloc : memref<!tpu.dma_semaphore, #tpu.memory_space<semaphore_mem>>
      %dma_start3A = arith.constant 0 : i32
      %dma_start3A_78 = tpu.memref_slice %arg5[%arg0, %add3A_57, %dma_start3A] : memref<2x10240x128xf32, #tpu.memory_space<hbm>> -> memref<1x128x128xf32, #tpu.memory_space<hbm>>
      %dma_start3A_79 = tpu.memref_squeeze %dma_start3A_78 : memref<1x128x128xf32, #tpu.memory_space<hbm>> -> memref<128x128xf32, #tpu.memory_space<hbm>>
      %dma_start3A_80 = arith.constant 0 : i32
      %dma_start3A_81 = tpu.memref_slice %arg12[%add3A_57, %dma_start3A_80] : memref<10240x128xf32, #tpu.memory_space<vmem_shared>> -> memref<128x128xf32, #tpu.memory_space<vmem_shared>>
      tpu.enqueue_dma source(%dma_start3A_81 : memref<128x128xf32, #tpu.memory_space<vmem_shared>>) target(%dma_start3A_79 : memref<128x128xf32, #tpu.memory_space<hbm>>) target_semaphore(%run_scoped3A : memref<!tpu.dma_semaphore, #tpu.memory_space<semaphore_mem>>)
      %dma_wait3A = arith.constant 0 : i32
      %dma_wait3A_82 = tpu.memref_slice %arg5[%arg0, %add3A_57, %dma_wait3A] : memref<2x10240x128xf32, #tpu.memory_space<hbm>> -> memref<1x128x128xf32, #tpu.memory_space<hbm>>
      %dma_wait3A_83 = tpu.memref_squeeze %dma_wait3A_82 : memref<1x128x128xf32, #tpu.memory_space<hbm>> -> memref<128x128xf32, #tpu.memory_space<hbm>>
      %dma_wait3A_84 = arith.constant 0 : i32
      %dma_wait3A_85 = tpu.memref_slice %arg12[%add3A_57, %dma_wait3A_84] : memref<10240x128xf32, #tpu.memory_space<vmem_shared>> -> memref<128x128xf32, #tpu.memory_space<vmem_shared>>
      tpu.wait_dma2 semaphore(%run_scoped3A : memref<!tpu.dma_semaphore, #tpu.memory_space<semaphore_mem>>) src(%dma_wait3A_85 : memref<128x128xf32, #tpu.memory_space<vmem_shared>>) dst(%dma_wait3A_83 : memref<128x128xf32, #tpu.memory_space<hbm>>)
      tpu.yield
    }) : () -> ()
    %mul3A_58 = arith.constant 640 : i32
    %mul3A_59 = arith.muli %arg1, %mul3A_58 : i32
    %add3A_60 = arith.constant 128 : i32
    %add3A_61 = arith.addi %mul3A_59, %add3A_60 : i32
    "tpu.region"() ({
      %run_scoped3A = tpu.sem_alloc : memref<!tpu.dma_semaphore, #tpu.memory_space<semaphore_mem>>
      %dma_start3A = arith.constant 0 : i32
      %dma_start3A_78 = tpu.memref_slice %arg5[%arg0, %add3A_61, %dma_start3A] : memref<2x10240x128xf32, #tpu.memory_space<hbm>> -> memref<1x128x128xf32, #tpu.memory_space<hbm>>
      %dma_start3A_79 = tpu.memref_squeeze %dma_start3A_78 : memref<1x128x128xf32, #tpu.memory_space<hbm>> -> memref<128x128xf32, #tpu.memory_space<hbm>>
      %dma_start3A_80 = arith.constant 0 : i32
      %dma_start3A_81 = tpu.memref_slice %arg12[%add3A_61, %dma_start3A_80] : memref<10240x128xf32, #tpu.memory_space<vmem_shared>> -> memref<128x128xf32, #tpu.memory_space<vmem_shared>>
      tpu.enqueue_dma source(%dma_start3A_81 : memref<128x128xf32, #tpu.memory_space<vmem_shared>>) target(%dma_start3A_79 : memref<128x128xf32, #tpu.memory_space<hbm>>) target_semaphore(%run_scoped3A : memref<!tpu.dma_semaphore, #tpu.memory_space<semaphore_mem>>)
      %dma_wait3A = arith.constant 0 : i32
      %dma_wait3A_82 = tpu.memref_slice %arg5[%arg0, %add3A_61, %dma_wait3A] : memref<2x10240x128xf32, #tpu.memory_space<hbm>> -> memref<1x128x128xf32, #tpu.memory_space<hbm>>
      %dma_wait3A_83 = tpu.memref_squeeze %dma_wait3A_82 : memref<1x128x128xf32, #tpu.memory_space<hbm>> -> memref<128x128xf32, #tpu.memory_space<hbm>>
      %dma_wait3A_84 = arith.constant 0 : i32
      %dma_wait3A_85 = tpu.memref_slice %arg12[%add3A_61, %dma_wait3A_84] : memref<10240x128xf32, #tpu.memory_space<vmem_shared>> -> memref<128x128xf32, #tpu.memory_space<vmem_shared>>
      tpu.wait_dma2 semaphore(%run_scoped3A : memref<!tpu.dma_semaphore, #tpu.memory_space<semaphore_mem>>) src(%dma_wait3A_85 : memref<128x128xf32, #tpu.memory_space<vmem_shared>>) dst(%dma_wait3A_83 : memref<128x128xf32, #tpu.memory_space<hbm>>)
      tpu.yield
    }) : () -> ()
    %mul3A_62 = arith.constant 640 : i32
    %mul3A_63 = arith.muli %arg1, %mul3A_62 : i32
    %add3A_64 = arith.constant 256 : i32
    %add3A_65 = arith.addi %mul3A_63, %add3A_64 : i32
    "tpu.region"() ({
      %run_scoped3A = tpu.sem_alloc : memref<!tpu.dma_semaphore, #tpu.memory_space<semaphore_mem>>
      %dma_start3A = arith.constant 0 : i32
      %dma_start3A_78 = tpu.memref_slice %arg5[%arg0, %add3A_65, %dma_start3A] : memref<2x10240x128xf32, #tpu.memory_space<hbm>> -> memref<1x128x128xf32, #tpu.memory_space<hbm>>
      %dma_start3A_79 = tpu.memref_squeeze %dma_start3A_78 : memref<1x128x128xf32, #tpu.memory_space<hbm>> -> memref<128x128xf32, #tpu.memory_space<hbm>>
      %dma_start3A_80 = arith.constant 0 : i32
      %dma_start3A_81 = tpu.memref_slice %arg12[%add3A_65, %dma_start3A_80] : memref<10240x128xf32, #tpu.memory_space<vmem_shared>> -> memref<128x128xf32, #tpu.memory_space<vmem_shared>>
      tpu.enqueue_dma source(%dma_start3A_81 : memref<128x128xf32, #tpu.memory_space<vmem_shared>>) target(%dma_start3A_79 : memref<128x128xf32, #tpu.memory_space<hbm>>) target_semaphore(%run_scoped3A : memref<!tpu.dma_semaphore, #tpu.memory_space<semaphore_mem>>)
      %dma_wait3A = arith.constant 0 : i32
      %dma_wait3A_82 = tpu.memref_slice %arg5[%arg0, %add3A_65, %dma_wait3A] : memref<2x10240x128xf32, #tpu.memory_space<hbm>> -> memref<1x128x128xf32, #tpu.memory_space<hbm>>
      %dma_wait3A_83 = tpu.memref_squeeze %dma_wait3A_82 : memref<1x128x128xf32, #tpu.memory_space<hbm>> -> memref<128x128xf32, #tpu.memory_space<hbm>>
      %dma_wait3A_84 = arith.constant 0 : i32
      %dma_wait3A_85 = tpu.memref_slice %arg12[%add3A_65, %dma_wait3A_84] : memref<10240x128xf32, #tpu.memory_space<vmem_shared>> -> memref<128x128xf32, #tpu.memory_space<vmem_shared>>
      tpu.wait_dma2 semaphore(%run_scoped3A : memref<!tpu.dma_semaphore, #tpu.memory_space<semaphore_mem>>) src(%dma_wait3A_85 : memref<128x128xf32, #tpu.memory_space<vmem_shared>>) dst(%dma_wait3A_83 : memref<128x128xf32, #tpu.memory_space<hbm>>)
      tpu.yield
    }) : () -> ()
    %mul3A_66 = arith.constant 640 : i32
    %mul3A_67 = arith.muli %arg1, %mul3A_66 : i32
    %add3A_68 = arith.constant 384 : i32
    %add3A_69 = arith.addi %mul3A_67, %add3A_68 : i32
    "tpu.region"() ({
      %run_scoped3A = tpu.sem_alloc : memref<!tpu.dma_semaphore, #tpu.memory_space<semaphore_mem>>
      %dma_start3A = arith.constant 0 : i32
      %dma_start3A_78 = tpu.memref_slice %arg5[%arg0, %add3A_69, %dma_start3A] : memref<2x10240x128xf32, #tpu.memory_space<hbm>> -> memref<1x128x128xf32, #tpu.memory_space<hbm>>
      %dma_start3A_79 = tpu.memref_squeeze %dma_start3A_78 : memref<1x128x128xf32, #tpu.memory_space<hbm>> -> memref<128x128xf32, #tpu.memory_space<hbm>>
      %dma_start3A_80 = arith.constant 0 : i32
      %dma_start3A_81 = tpu.memref_slice %arg12[%add3A_69, %dma_start3A_80] : memref<10240x128xf32, #tpu.memory_space<vmem_shared>> -> memref<128x128xf32, #tpu.memory_space<vmem_shared>>
      tpu.enqueue_dma source(%dma_start3A_81 : memref<128x128xf32, #tpu.memory_space<vmem_shared>>) target(%dma_start3A_79 : memref<128x128xf32, #tpu.memory_space<hbm>>) target_semaphore(%run_scoped3A : memref<!tpu.dma_semaphore, #tpu.memory_space<semaphore_mem>>)
      %dma_wait3A = arith.constant 0 : i32
      %dma_wait3A_82 = tpu.memref_slice %arg5[%arg0, %add3A_69, %dma_wait3A] : memref<2x10240x128xf32, #tpu.memory_space<hbm>> -> memref<1x128x128xf32, #tpu.memory_space<hbm>>
      %dma_wait3A_83 = tpu.memref_squeeze %dma_wait3A_82 : memref<1x128x128xf32, #tpu.memory_space<hbm>> -> memref<128x128xf32, #tpu.memory_space<hbm>>
      %dma_wait3A_84 = arith.constant 0 : i32
      %dma_wait3A_85 = tpu.memref_slice %arg12[%add3A_69, %dma_wait3A_84] : memref<10240x128xf32, #tpu.memory_space<vmem_shared>> -> memref<128x128xf32, #tpu.memory_space<vmem_shared>>
      tpu.wait_dma2 semaphore(%run_scoped3A : memref<!tpu.dma_semaphore, #tpu.memory_space<semaphore_mem>>) src(%dma_wait3A_85 : memref<128x128xf32, #tpu.memory_space<vmem_shared>>) dst(%dma_wait3A_83 : memref<128x128xf32, #tpu.memory_space<hbm>>)
      tpu.yield
    }) : () -> ()
    %mul3A_70 = arith.constant 640 : i32
    %mul3A_71 = arith.muli %arg1, %mul3A_70 : i32
    %add3A_72 = arith.constant 512 : i32
    %add3A_73 = arith.addi %mul3A_71, %add3A_72 : i32
    "tpu.region"() ({
      %run_scoped3A = tpu.sem_alloc : memref<!tpu.dma_semaphore, #tpu.memory_space<semaphore_mem>>
      %dma_start3A = arith.constant 0 : i32
      %dma_start3A_78 = tpu.memref_slice %arg5[%arg0, %add3A_73, %dma_start3A] : memref<2x10240x128xf32, #tpu.memory_space<hbm>> -> memref<1x128x128xf32, #tpu.memory_space<hbm>>
      %dma_start3A_79 = tpu.memref_squeeze %dma_start3A_78 : memref<1x128x128xf32, #tpu.memory_space<hbm>> -> memref<128x128xf32, #tpu.memory_space<hbm>>
      %dma_start3A_80 = arith.constant 0 : i32
      %dma_start3A_81 = tpu.memref_slice %arg12[%add3A_73, %dma_start3A_80] : memref<10240x128xf32, #tpu.memory_space<vmem_shared>> -> memref<128x128xf32, #tpu.memory_space<vmem_shared>>
      tpu.enqueue_dma source(%dma_start3A_81 : memref<128x128xf32, #tpu.memory_space<vmem_shared>>) target(%dma_start3A_79 : memref<128x128xf32, #tpu.memory_space<hbm>>) target_semaphore(%run_scoped3A : memref<!tpu.dma_semaphore, #tpu.memory_space<semaphore_mem>>)
      %dma_wait3A = arith.constant 0 : i32
      %dma_wait3A_82 = tpu.memref_slice %arg5[%arg0, %add3A_73, %dma_wait3A] : memref<2x10240x128xf32, #tpu.memory_space<hbm>> -> memref<1x128x128xf32, #tpu.memory_space<hbm>>
      %dma_wait3A_83 = tpu.memref_squeeze %dma_wait3A_82 : memref<1x128x128xf32, #tpu.memory_space<hbm>> -> memref<128x128xf32, #tpu.memory_space<hbm>>
      %dma_wait3A_84 = arith.constant 0 : i32
      %dma_wait3A_85 = tpu.memref_slice %arg12[%add3A_73, %dma_wait3A_84] : memref<10240x128xf32, #tpu.memory_space<vmem_shared>> -> memref<128x128xf32, #tpu.memory_space<vmem_shared>>
      tpu.wait_dma2 semaphore(%run_scoped3A : memref<!tpu.dma_semaphore, #tpu.memory_space<semaphore_mem>>) src(%dma_wait3A_85 : memref<128x128xf32, #tpu.memory_space<vmem_shared>>) dst(%dma_wait3A_83 : memref<128x128xf32, #tpu.memory_space<hbm>>)
      tpu.yield
    }) : () -> ()
    %mul3A_74 = arith.constant 640 : i32
    %mul3A_75 = arith.muli %arg1, %mul3A_74 : i32
    %mul3A_76 = arith.constant 640 : i32
    %mul3A_77 = arith.muli %arg1, %mul3A_76 : i32
    "tpu.region"() ({
      %run_scoped3A = tpu.sem_alloc : memref<!tpu.dma_semaphore, #tpu.memory_space<semaphore_mem>>
      %dma_start3A = tpu.memref_slice %arg6[%arg0, %mul3A_77] : memref<2x10240xf32, #tpu.memory_space<hbm>> -> memref<1x640xf32, #tpu.memory_space<hbm>>
      %dma_start3A_78 = tpu.memref_squeeze %dma_start3A : memref<1x640xf32, #tpu.memory_space<hbm>> -> memref<640xf32, #tpu.memory_space<hbm>>
      %dma_start3A_79 = tpu.memref_slice %arg13[%mul3A_75] : memref<10240xf32, #tpu.memory_space<vmem_shared>> -> memref<640xf32, #tpu.memory_space<vmem_shared>>
      tpu.enqueue_dma source(%dma_start3A_79 : memref<640xf32, #tpu.memory_space<vmem_shared>>) target(%dma_start3A_78 : memref<640xf32, #tpu.memory_space<hbm>>) target_semaphore(%run_scoped3A : memref<!tpu.dma_semaphore, #tpu.memory_space<semaphore_mem>>)
      %dma_wait3A = tpu.memref_slice %arg6[%arg0, %mul3A_77] : memref<2x10240xf32, #tpu.memory_space<hbm>> -> memref<1x640xf32, #tpu.memory_space<hbm>>
      %dma_wait3A_80 = tpu.memref_squeeze %dma_wait3A : memref<1x640xf32, #tpu.memory_space<hbm>> -> memref<640xf32, #tpu.memory_space<hbm>>
      %dma_wait3A_81 = tpu.memref_slice %arg13[%mul3A_75] : memref<10240xf32, #tpu.memory_space<vmem_shared>> -> memref<640xf32, #tpu.memory_space<vmem_shared>>
      tpu.wait_dma2 semaphore(%run_scoped3A : memref<!tpu.dma_semaphore, #tpu.memory_space<semaphore_mem>>) src(%dma_wait3A_81 : memref<640xf32, #tpu.memory_space<vmem_shared>>) dst(%dma_wait3A_80 : memref<640xf32, #tpu.memory_space<hbm>>)
      tpu.yield
    }) : () -> ()
    return
  }
}

#map = affine_map<(d0, d1) -> (0, 0)>
#map1 = affine_map<(d0, d1) -> (0)>
#map2 = affine_map<(d0, d1) -> (0, 0, 0)>
module attributes {stable_mosaic.version = 14 : i64} {
  func.func @_spmm_body(%arg0: i32, %arg1: i32, %arg2: memref<10000x64xf32, #tpu.memory_space<hbm>>, %arg3: memref<327680xi32, #tpu.memory_space<hbm>>, %arg4: memref<327680xi32, #tpu.memory_space<hbm>>, %arg5: memref<2x10240x64xf32, #tpu.memory_space<hbm>>, %arg6: memref<128xi32, #tpu.memory_space<vmem>>, %arg7: memref<128xi32, #tpu.memory_space<vmem>>, %arg8: memref<128x64xf32, #tpu.memory_space<vmem>>, %arg9: memref<10240x64xf32, #tpu.memory_space<vmem_shared>>, %arg10: memref<!tpu.dma_semaphore, #tpu.memory_space<semaphore_mem>>) attributes {dimension_semantics = [#tpu.dimension_semantics<core_parallel>, #tpu.dimension_semantics<subcore_parallel>], iteration_bounds = array<i64: 2, 16>, scalar_prefetch = 0 : i64, scratch_operands = 5 : i64, tpu.core_type = #tpu.core_type<sc_vector_subcore>, window_params = [{transform_indices = #map}, {transform_indices = #map1}, {transform_indices = #map1}, {transform_indices = #map2}]} {
    %mul3A = arith.constant 2 : i32
    %mul3A_0 = arith.muli %arg1, %mul3A : i32
    %add3A = arith.addi %mul3A_0, %arg0 : i32
    %broadcast_in_dim3A = arith.constant 0.000000e+00 : f32
    %broadcast_in_dim3A_1 = vector.broadcast %broadcast_in_dim3A : f32 to vector<16xf32>
    %scan3A = arith.constant 0 : i32
    %scan3A_2 = arith.constant 0 : i32
    %scan3A_3 = arith.constant 128 : i32
    %scan3A_4 = arith.addi %scan3A_2, %scan3A_3 : i32
    %scan3A_5 = arith.constant 1 : i32
    %scan3A_6 = scf.for %scan3A_56 = %scan3A_2 to %scan3A_4 step %scan3A_5 iter_args(%scan3A_57 = %scan3A) -> (i32)  : i32 {
      %scan3A_58 = arith.constant 0 : i32
      %scan3A_59 = arith.constant 0 : i32
      %scan3A_60 = arith.constant 4 : i32
      %scan3A_61 = arith.addi %scan3A_59, %scan3A_60 : i32
      %scan3A_62 = arith.constant 1 : i32
      %scan3A_63 = scf.for %scan3A_65 = %scan3A_59 to %scan3A_61 step %scan3A_62 iter_args(%scan3A_66 = %scan3A_58) -> (i32)  : i32 {
        %mul3A_67 = arith.constant 16 : i32
        %mul3A_68 = arith.muli %scan3A_65, %mul3A_67 : i32
        %swap3A = arith.index_cast %scan3A_56 : i32 to index
        %swap3A_69 = arith.index_cast %mul3A_68 : i32 to index
        %swap3A_70 = tpu.vector_load %arg8[%swap3A, %swap3A_69] {strides = array<i32>} : memref<128x64xf32, #tpu.memory_space<vmem>>, vector<1x16xf32>,
        %swap3A_71 = vector.shape_cast %swap3A_70 : vector<1x16xf32> to vector<16xf32>
        %swap3A_72 = vector.shape_cast %broadcast_in_dim3A_1 : vector<16xf32> to vector<1x16xf32>
        tpu.vector_store %arg8[%swap3A, %swap3A_69], %swap3A_72 {strides = array<i32>} : memref<128x64xf32, #tpu.memory_space<vmem>>, vector<1x16xf32>,
        %scan3A_73 = arith.constant 0 : i32
        scf.yield %scan3A_73 : i32
      }
      %scan3A_64 = arith.constant 4 : i32
      scf.yield %scan3A_63 : i32
    }
    %scan3A_7 = arith.constant 128 : i32
    %mul3A_8 = arith.constant 640 : i32
    %mul3A_9 = arith.muli %arg1, %mul3A_8 : i32
    %add3A_10 = arith.constant 0 : i32
    %add3A_11 = arith.addi %mul3A_9, %add3A_10 : i32
    "tpu.region"() ({
      %run_scoped3A = tpu.sem_alloc : memref<!tpu.dma_semaphore, #tpu.memory_space<semaphore_mem>>
      %dma_start3A = arith.constant 0 : i32
      %dma_start3A_56 = tpu.memref_slice %arg9[%add3A_11, %dma_start3A] : memref<10240x64xf32, #tpu.memory_space<vmem_shared>> -> memref<128x64xf32, #tpu.memory_space<vmem_shared>>
      %dma_start3A_57 = arith.constant 0 : i32
      %dma_start3A_58 = tpu.memref_slice %arg9[%add3A_11, %dma_start3A_57] : memref<10240x64xf32, #tpu.memory_space<vmem_shared>> -> memref<128x64xf32, #tpu.memory_space<vmem_shared>>
      tpu.enqueue_dma source(%arg8 : memref<128x64xf32, #tpu.memory_space<vmem>>) target(%dma_start3A_58 : memref<128x64xf32, #tpu.memory_space<vmem_shared>>) target_semaphore(%run_scoped3A : memref<!tpu.dma_semaphore, #tpu.memory_space<semaphore_mem>>)
      %dma_wait3A = arith.constant 0 : i32
      %dma_wait3A_59 = tpu.memref_slice %arg9[%add3A_11, %dma_wait3A] : memref<10240x64xf32, #tpu.memory_space<vmem_shared>> -> memref<128x64xf32, #tpu.memory_space<vmem_shared>>
      %dma_wait3A_60 = arith.constant 0 : i32
      %dma_wait3A_61 = tpu.memref_slice %arg9[%add3A_11, %dma_wait3A_60] : memref<10240x64xf32, #tpu.memory_space<vmem_shared>> -> memref<128x64xf32, #tpu.memory_space<vmem_shared>>
      tpu.wait_dma2 semaphore(%run_scoped3A : memref<!tpu.dma_semaphore, #tpu.memory_space<semaphore_mem>>) src(%arg8 : memref<128x64xf32, #tpu.memory_space<vmem>>) dst(%dma_wait3A_61 : memref<128x64xf32, #tpu.memory_space<vmem_shared>>)
      tpu.yield
    }) : () -> ()
    %mul3A_12 = arith.constant 640 : i32
    %mul3A_13 = arith.muli %arg1, %mul3A_12 : i32
    %add3A_14 = arith.constant 128 : i32
    %add3A_15 = arith.addi %mul3A_13, %add3A_14 : i32
    "tpu.region"() ({
      %run_scoped3A = tpu.sem_alloc : memref<!tpu.dma_semaphore, #tpu.memory_space<semaphore_mem>>
      %dma_start3A = arith.constant 0 : i32
      %dma_start3A_56 = tpu.memref_slice %arg9[%add3A_15, %dma_start3A] : memref<10240x64xf32, #tpu.memory_space<vmem_shared>> -> memref<128x64xf32, #tpu.memory_space<vmem_shared>>
      %dma_start3A_57 = arith.constant 0 : i32
      %dma_start3A_58 = tpu.memref_slice %arg9[%add3A_15, %dma_start3A_57] : memref<10240x64xf32, #tpu.memory_space<vmem_shared>> -> memref<128x64xf32, #tpu.memory_space<vmem_shared>>
      tpu.enqueue_dma source(%arg8 : memref<128x64xf32, #tpu.memory_space<vmem>>) target(%dma_start3A_58 : memref<128x64xf32, #tpu.memory_space<vmem_shared>>) target_semaphore(%run_scoped3A : memref<!tpu.dma_semaphore, #tpu.memory_space<semaphore_mem>>)
      %dma_wait3A = arith.constant 0 : i32
      %dma_wait3A_59 = tpu.memref_slice %arg9[%add3A_15, %dma_wait3A] : memref<10240x64xf32, #tpu.memory_space<vmem_shared>> -> memref<128x64xf32, #tpu.memory_space<vmem_shared>>
      %dma_wait3A_60 = arith.constant 0 : i32
      %dma_wait3A_61 = tpu.memref_slice %arg9[%add3A_15, %dma_wait3A_60] : memref<10240x64xf32, #tpu.memory_space<vmem_shared>> -> memref<128x64xf32, #tpu.memory_space<vmem_shared>>
      tpu.wait_dma2 semaphore(%run_scoped3A : memref<!tpu.dma_semaphore, #tpu.memory_space<semaphore_mem>>) src(%arg8 : memref<128x64xf32, #tpu.memory_space<vmem>>) dst(%dma_wait3A_61 : memref<128x64xf32, #tpu.memory_space<vmem_shared>>)
      tpu.yield
    }) : () -> ()
    %mul3A_16 = arith.constant 640 : i32
    %mul3A_17 = arith.muli %arg1, %mul3A_16 : i32
    %add3A_18 = arith.constant 256 : i32
    %add3A_19 = arith.addi %mul3A_17, %add3A_18 : i32
    "tpu.region"() ({
      %run_scoped3A = tpu.sem_alloc : memref<!tpu.dma_semaphore, #tpu.memory_space<semaphore_mem>>
      %dma_start3A = arith.constant 0 : i32
      %dma_start3A_56 = tpu.memref_slice %arg9[%add3A_19, %dma_start3A] : memref<10240x64xf32, #tpu.memory_space<vmem_shared>> -> memref<128x64xf32, #tpu.memory_space<vmem_shared>>
      %dma_start3A_57 = arith.constant 0 : i32
      %dma_start3A_58 = tpu.memref_slice %arg9[%add3A_19, %dma_start3A_57] : memref<10240x64xf32, #tpu.memory_space<vmem_shared>> -> memref<128x64xf32, #tpu.memory_space<vmem_shared>>
      tpu.enqueue_dma source(%arg8 : memref<128x64xf32, #tpu.memory_space<vmem>>) target(%dma_start3A_58 : memref<128x64xf32, #tpu.memory_space<vmem_shared>>) target_semaphore(%run_scoped3A : memref<!tpu.dma_semaphore, #tpu.memory_space<semaphore_mem>>)
      %dma_wait3A = arith.constant 0 : i32
      %dma_wait3A_59 = tpu.memref_slice %arg9[%add3A_19, %dma_wait3A] : memref<10240x64xf32, #tpu.memory_space<vmem_shared>> -> memref<128x64xf32, #tpu.memory_space<vmem_shared>>
      %dma_wait3A_60 = arith.constant 0 : i32
      %dma_wait3A_61 = tpu.memref_slice %arg9[%add3A_19, %dma_wait3A_60] : memref<10240x64xf32, #tpu.memory_space<vmem_shared>> -> memref<128x64xf32, #tpu.memory_space<vmem_shared>>
      tpu.wait_dma2 semaphore(%run_scoped3A : memref<!tpu.dma_semaphore, #tpu.memory_space<semaphore_mem>>) src(%arg8 : memref<128x64xf32, #tpu.memory_space<vmem>>) dst(%dma_wait3A_61 : memref<128x64xf32, #tpu.memory_space<vmem_shared>>)
      tpu.yield
    }) : () -> ()
    %mul3A_20 = arith.constant 640 : i32
    %mul3A_21 = arith.muli %arg1, %mul3A_20 : i32
    %add3A_22 = arith.constant 384 : i32
    %add3A_23 = arith.addi %mul3A_21, %add3A_22 : i32
    "tpu.region"() ({
      %run_scoped3A = tpu.sem_alloc : memref<!tpu.dma_semaphore, #tpu.memory_space<semaphore_mem>>
      %dma_start3A = arith.constant 0 : i32
      %dma_start3A_56 = tpu.memref_slice %arg9[%add3A_23, %dma_start3A] : memref<10240x64xf32, #tpu.memory_space<vmem_shared>> -> memref<128x64xf32, #tpu.memory_space<vmem_shared>>
      %dma_start3A_57 = arith.constant 0 : i32
      %dma_start3A_58 = tpu.memref_slice %arg9[%add3A_23, %dma_start3A_57] : memref<10240x64xf32, #tpu.memory_space<vmem_shared>> -> memref<128x64xf32, #tpu.memory_space<vmem_shared>>
      tpu.enqueue_dma source(%arg8 : memref<128x64xf32, #tpu.memory_space<vmem>>) target(%dma_start3A_58 : memref<128x64xf32, #tpu.memory_space<vmem_shared>>) target_semaphore(%run_scoped3A : memref<!tpu.dma_semaphore, #tpu.memory_space<semaphore_mem>>)
      %dma_wait3A = arith.constant 0 : i32
      %dma_wait3A_59 = tpu.memref_slice %arg9[%add3A_23, %dma_wait3A] : memref<10240x64xf32, #tpu.memory_space<vmem_shared>> -> memref<128x64xf32, #tpu.memory_space<vmem_shared>>
      %dma_wait3A_60 = arith.constant 0 : i32
      %dma_wait3A_61 = tpu.memref_slice %arg9[%add3A_23, %dma_wait3A_60] : memref<10240x64xf32, #tpu.memory_space<vmem_shared>> -> memref<128x64xf32, #tpu.memory_space<vmem_shared>>
      tpu.wait_dma2 semaphore(%run_scoped3A : memref<!tpu.dma_semaphore, #tpu.memory_space<semaphore_mem>>) src(%arg8 : memref<128x64xf32, #tpu.memory_space<vmem>>) dst(%dma_wait3A_61 : memref<128x64xf32, #tpu.memory_space<vmem_shared>>)
      tpu.yield
    }) : () -> ()
    %mul3A_24 = arith.constant 640 : i32
    %mul3A_25 = arith.muli %arg1, %mul3A_24 : i32
    %add3A_26 = arith.constant 512 : i32
    %add3A_27 = arith.addi %mul3A_25, %add3A_26 : i32
    "tpu.region"() ({
      %run_scoped3A = tpu.sem_alloc : memref<!tpu.dma_semaphore, #tpu.memory_space<semaphore_mem>>
      %dma_start3A = arith.constant 0 : i32
      %dma_start3A_56 = tpu.memref_slice %arg9[%add3A_27, %dma_start3A] : memref<10240x64xf32, #tpu.memory_space<vmem_shared>> -> memref<128x64xf32, #tpu.memory_space<vmem_shared>>
      %dma_start3A_57 = arith.constant 0 : i32
      %dma_start3A_58 = tpu.memref_slice %arg9[%add3A_27, %dma_start3A_57] : memref<10240x64xf32, #tpu.memory_space<vmem_shared>> -> memref<128x64xf32, #tpu.memory_space<vmem_shared>>
      tpu.enqueue_dma source(%arg8 : memref<128x64xf32, #tpu.memory_space<vmem>>) target(%dma_start3A_58 : memref<128x64xf32, #tpu.memory_space<vmem_shared>>) target_semaphore(%run_scoped3A : memref<!tpu.dma_semaphore, #tpu.memory_space<semaphore_mem>>)
      %dma_wait3A = arith.constant 0 : i32
      %dma_wait3A_59 = tpu.memref_slice %arg9[%add3A_27, %dma_wait3A] : memref<10240x64xf32, #tpu.memory_space<vmem_shared>> -> memref<128x64xf32, #tpu.memory_space<vmem_shared>>
      %dma_wait3A_60 = arith.constant 0 : i32
      %dma_wait3A_61 = tpu.memref_slice %arg9[%add3A_27, %dma_wait3A_60] : memref<10240x64xf32, #tpu.memory_space<vmem_shared>> -> memref<128x64xf32, #tpu.memory_space<vmem_shared>>
      tpu.wait_dma2 semaphore(%run_scoped3A : memref<!tpu.dma_semaphore, #tpu.memory_space<semaphore_mem>>) src(%arg8 : memref<128x64xf32, #tpu.memory_space<vmem>>) dst(%dma_wait3A_61 : memref<128x64xf32, #tpu.memory_space<vmem_shared>>)
      tpu.yield
    }) : () -> ()
    %barrier3A = arith.constant 0 : index
    tpu.barrier barrier_id(%barrier3A)
    %scan3A_28 = arith.constant 0 : i32
    %scan3A_29 = arith.constant 0 : i32
    %scan3A_30 = arith.constant 80 : i32
    %scan3A_31 = arith.addi %scan3A_29, %scan3A_30 : i32
    %scan3A_32 = arith.constant 1 : i32
    %scan3A_33 = scf.for %scan3A_56 = %scan3A_29 to %scan3A_31 step %scan3A_32 iter_args(%scan3A_57 = %scan3A_28) -> (i32)  : i32 {
      %mul3A_58 = arith.constant 10240 : i32
      %mul3A_59 = arith.muli %add3A, %mul3A_58 : i32
      %mul3A_60 = arith.constant 128 : i32
      %mul3A_61 = arith.muli %scan3A_56, %mul3A_60 : i32
      %add3A_62 = arith.addi %mul3A_59, %mul3A_61 : i32
      "tpu.region"() ({
        %run_scoped3A = tpu.sem_alloc : memref<!tpu.dma_semaphore, #tpu.memory_space<semaphore_mem>>
        %dma_start3A_68 = tpu.memref_slice %arg3[%add3A_62] : memref<327680xi32, #tpu.memory_space<hbm>> -> memref<128xi32, #tpu.memory_space<hbm>>
        %dma_start3A_69 = tpu.memref_slice %arg3[%add3A_62] : memref<327680xi32, #tpu.memory_space<hbm>> -> memref<128xi32, #tpu.memory_space<hbm>>
        tpu.enqueue_dma source(%dma_start3A_69 : memref<128xi32, #tpu.memory_space<hbm>>) target(%arg6 : memref<128xi32, #tpu.memory_space<vmem>>) target_semaphore(%run_scoped3A : memref<!tpu.dma_semaphore, #tpu.memory_space<semaphore_mem>>)
        %dma_wait3A_70 = tpu.memref_slice %arg3[%add3A_62] : memref<327680xi32, #tpu.memory_space<hbm>> -> memref<128xi32, #tpu.memory_space<hbm>>
        %dma_wait3A_71 = tpu.memref_slice %arg3[%add3A_62] : memref<327680xi32, #tpu.memory_space<hbm>> -> memref<128xi32, #tpu.memory_space<hbm>>
        tpu.wait_dma2 semaphore(%run_scoped3A : memref<!tpu.dma_semaphore, #tpu.memory_space<semaphore_mem>>) src(%dma_wait3A_71 : memref<128xi32, #tpu.memory_space<hbm>>) dst(%arg6 : memref<128xi32, #tpu.memory_space<vmem>>)
        tpu.yield
      }) : () -> ()
      "tpu.region"() ({
        %run_scoped3A = tpu.sem_alloc : memref<!tpu.dma_semaphore, #tpu.memory_space<semaphore_mem>>
        %dma_start3A_68 = tpu.memref_slice %arg4[%add3A_62] : memref<327680xi32, #tpu.memory_space<hbm>> -> memref<128xi32, #tpu.memory_space<hbm>>
        %dma_start3A_69 = tpu.memref_slice %arg4[%add3A_62] : memref<327680xi32, #tpu.memory_space<hbm>> -> memref<128xi32, #tpu.memory_space<hbm>>
        tpu.enqueue_dma source(%dma_start3A_69 : memref<128xi32, #tpu.memory_space<hbm>>) target(%arg7 : memref<128xi32, #tpu.memory_space<vmem>>) target_semaphore(%run_scoped3A : memref<!tpu.dma_semaphore, #tpu.memory_space<semaphore_mem>>)
        %dma_wait3A_70 = tpu.memref_slice %arg4[%add3A_62] : memref<327680xi32, #tpu.memory_space<hbm>> -> memref<128xi32, #tpu.memory_space<hbm>>
        %dma_wait3A_71 = tpu.memref_slice %arg4[%add3A_62] : memref<327680xi32, #tpu.memory_space<hbm>> -> memref<128xi32, #tpu.memory_space<hbm>>
        tpu.wait_dma2 semaphore(%run_scoped3A : memref<!tpu.dma_semaphore, #tpu.memory_space<semaphore_mem>>) src(%dma_wait3A_71 : memref<128xi32, #tpu.memory_space<hbm>>) dst(%arg7 : memref<128xi32, #tpu.memory_space<vmem>>)
        tpu.yield
      }) : () -> ()
      %dma_start3A = arith.constant 0 : i32
      %dma_start3A_63 = arith.constant 0 : i32
      %dma_start3A_64 = tpu.memref_slice %arg2[%dma_start3A, %dma_start3A_63] : memref<10000x64xf32, #tpu.memory_space<hbm>> -> memref<10000x64xf32, #tpu.memory_space<hbm>>
      tpu.enqueue_indirect_dma source(%dma_start3A_64 : memref<10000x64xf32, #tpu.memory_space<hbm>>) target(%arg8 : memref<128x64xf32, #tpu.memory_space<vmem>>) offsets(%arg6 : memref<128xi32, #tpu.memory_space<vmem>>) semaphore(%arg10 : memref<!tpu.dma_semaphore, #tpu.memory_space<semaphore_mem>>)
      %dma_wait3A = arith.constant 0 : i32
      %dma_wait3A_65 = arith.constant 0 : i32
      %dma_wait3A_66 = tpu.memref_slice %arg2[%dma_wait3A, %dma_wait3A_65] : memref<10000x64xf32, #tpu.memory_space<hbm>> -> memref<10000x64xf32, #tpu.memory_space<hbm>>
      tpu.wait_indirect_dma semaphore(%arg10 : memref<!tpu.dma_semaphore, #tpu.memory_space<semaphore_mem>>) src(%dma_wait3A_66 : memref<10000x64xf32, #tpu.memory_space<hbm>>) dst(%arg8 : memref<128x64xf32, #tpu.memory_space<vmem>>)
      "tpu.region"() ({
        %run_scoped3A = tpu.sem_alloc : memref<!tpu.dma_semaphore, #tpu.memory_space<semaphore_mem>>
        %dma_start3A_68 = arith.constant 0 : i32
        %dma_start3A_69 = arith.constant 0 : i32
        %dma_start3A_70 = tpu.memref_slice %arg9[%dma_start3A_68, %dma_start3A_69] : memref<10240x64xf32, #tpu.memory_space<vmem_shared>> -> memref<10240x64xf32, #tpu.memory_space<vmem_shared>>
        tpu.enqueue_indirect_dma source(%arg8 : memref<128x64xf32, #tpu.memory_space<vmem>>) target(%dma_start3A_70 : memref<10240x64xf32, #tpu.memory_space<vmem_shared>>) offsets(%arg7 : memref<128xi32, #tpu.memory_space<vmem>>) semaphore(%run_scoped3A : memref<!tpu.dma_semaphore, #tpu.memory_space<semaphore_mem>>) {add = true}
        %dma_wait3A_71 = arith.constant 0 : i32
        %dma_wait3A_72 = arith.constant 0 : i32
        %dma_wait3A_73 = tpu.memref_slice %arg9[%dma_wait3A_71, %dma_wait3A_72] : memref<10240x64xf32, #tpu.memory_space<vmem_shared>> -> memref<10240x64xf32, #tpu.memory_space<vmem_shared>>
        tpu.wait_indirect_dma semaphore(%run_scoped3A : memref<!tpu.dma_semaphore, #tpu.memory_space<semaphore_mem>>) src(%arg8 : memref<128x64xf32, #tpu.memory_space<vmem>>) dst(%dma_wait3A_73 : memref<10240x64xf32, #tpu.memory_space<vmem_shared>>)
        tpu.yield
      }) : () -> ()
      %scan3A_67 = arith.constant 0 : i32
      scf.yield %scan3A_67 : i32
    }
    %scan3A_34 = arith.constant 80 : i32
    %barrier3A_35 = arith.constant 0 : index
    tpu.barrier barrier_id(%barrier3A_35)
    %mul3A_36 = arith.constant 640 : i32
    %mul3A_37 = arith.muli %arg1, %mul3A_36 : i32
    %add3A_38 = arith.constant 0 : i32
    %add3A_39 = arith.addi %mul3A_37, %add3A_38 : i32
    "tpu.region"() ({
      %run_scoped3A = tpu.sem_alloc : memref<!tpu.dma_semaphore, #tpu.memory_space<semaphore_mem>>
      %dma_start3A = arith.constant 0 : i32
      %dma_start3A_56 = tpu.memref_slice %arg5[%arg0, %add3A_39, %dma_start3A] : memref<2x10240x64xf32, #tpu.memory_space<hbm>> -> memref<1x128x64xf32, #tpu.memory_space<hbm>>
      %dma_start3A_57 = tpu.memref_squeeze %dma_start3A_56 : memref<1x128x64xf32, #tpu.memory_space<hbm>> -> memref<128x64xf32, #tpu.memory_space<hbm>>
      %dma_start3A_58 = arith.constant 0 : i32
      %dma_start3A_59 = tpu.memref_slice %arg9[%add3A_39, %dma_start3A_58] : memref<10240x64xf32, #tpu.memory_space<vmem_shared>> -> memref<128x64xf32, #tpu.memory_space<vmem_shared>>
      tpu.enqueue_dma source(%dma_start3A_59 : memref<128x64xf32, #tpu.memory_space<vmem_shared>>) target(%dma_start3A_57 : memref<128x64xf32, #tpu.memory_space<hbm>>) target_semaphore(%run_scoped3A : memref<!tpu.dma_semaphore, #tpu.memory_space<semaphore_mem>>)
      %dma_wait3A = arith.constant 0 : i32
      %dma_wait3A_60 = tpu.memref_slice %arg5[%arg0, %add3A_39, %dma_wait3A] : memref<2x10240x64xf32, #tpu.memory_space<hbm>> -> memref<1x128x64xf32, #tpu.memory_space<hbm>>
      %dma_wait3A_61 = tpu.memref_squeeze %dma_wait3A_60 : memref<1x128x64xf32, #tpu.memory_space<hbm>> -> memref<128x64xf32, #tpu.memory_space<hbm>>
      %dma_wait3A_62 = arith.constant 0 : i32
      %dma_wait3A_63 = tpu.memref_slice %arg9[%add3A_39, %dma_wait3A_62] : memref<10240x64xf32, #tpu.memory_space<vmem_shared>> -> memref<128x64xf32, #tpu.memory_space<vmem_shared>>
      tpu.wait_dma2 semaphore(%run_scoped3A : memref<!tpu.dma_semaphore, #tpu.memory_space<semaphore_mem>>) src(%dma_wait3A_63 : memref<128x64xf32, #tpu.memory_space<vmem_shared>>) dst(%dma_wait3A_61 : memref<128x64xf32, #tpu.memory_space<hbm>>)
      tpu.yield
    }) : () -> ()
    %mul3A_40 = arith.constant 640 : i32
    %mul3A_41 = arith.muli %arg1, %mul3A_40 : i32
    %add3A_42 = arith.constant 128 : i32
    %add3A_43 = arith.addi %mul3A_41, %add3A_42 : i32
    "tpu.region"() ({
      %run_scoped3A = tpu.sem_alloc : memref<!tpu.dma_semaphore, #tpu.memory_space<semaphore_mem>>
      %dma_start3A = arith.constant 0 : i32
      %dma_start3A_56 = tpu.memref_slice %arg5[%arg0, %add3A_43, %dma_start3A] : memref<2x10240x64xf32, #tpu.memory_space<hbm>> -> memref<1x128x64xf32, #tpu.memory_space<hbm>>
      %dma_start3A_57 = tpu.memref_squeeze %dma_start3A_56 : memref<1x128x64xf32, #tpu.memory_space<hbm>> -> memref<128x64xf32, #tpu.memory_space<hbm>>
      %dma_start3A_58 = arith.constant 0 : i32
      %dma_start3A_59 = tpu.memref_slice %arg9[%add3A_43, %dma_start3A_58] : memref<10240x64xf32, #tpu.memory_space<vmem_shared>> -> memref<128x64xf32, #tpu.memory_space<vmem_shared>>
      tpu.enqueue_dma source(%dma_start3A_59 : memref<128x64xf32, #tpu.memory_space<vmem_shared>>) target(%dma_start3A_57 : memref<128x64xf32, #tpu.memory_space<hbm>>) target_semaphore(%run_scoped3A : memref<!tpu.dma_semaphore, #tpu.memory_space<semaphore_mem>>)
      %dma_wait3A = arith.constant 0 : i32
      %dma_wait3A_60 = tpu.memref_slice %arg5[%arg0, %add3A_43, %dma_wait3A] : memref<2x10240x64xf32, #tpu.memory_space<hbm>> -> memref<1x128x64xf32, #tpu.memory_space<hbm>>
      %dma_wait3A_61 = tpu.memref_squeeze %dma_wait3A_60 : memref<1x128x64xf32, #tpu.memory_space<hbm>> -> memref<128x64xf32, #tpu.memory_space<hbm>>
      %dma_wait3A_62 = arith.constant 0 : i32
      %dma_wait3A_63 = tpu.memref_slice %arg9[%add3A_43, %dma_wait3A_62] : memref<10240x64xf32, #tpu.memory_space<vmem_shared>> -> memref<128x64xf32, #tpu.memory_space<vmem_shared>>
      tpu.wait_dma2 semaphore(%run_scoped3A : memref<!tpu.dma_semaphore, #tpu.memory_space<semaphore_mem>>) src(%dma_wait3A_63 : memref<128x64xf32, #tpu.memory_space<vmem_shared>>) dst(%dma_wait3A_61 : memref<128x64xf32, #tpu.memory_space<hbm>>)
      tpu.yield
    }) : () -> ()
    %mul3A_44 = arith.constant 640 : i32
    %mul3A_45 = arith.muli %arg1, %mul3A_44 : i32
    %add3A_46 = arith.constant 256 : i32
    %add3A_47 = arith.addi %mul3A_45, %add3A_46 : i32
    "tpu.region"() ({
      %run_scoped3A = tpu.sem_alloc : memref<!tpu.dma_semaphore, #tpu.memory_space<semaphore_mem>>
      %dma_start3A = arith.constant 0 : i32
      %dma_start3A_56 = tpu.memref_slice %arg5[%arg0, %add3A_47, %dma_start3A] : memref<2x10240x64xf32, #tpu.memory_space<hbm>> -> memref<1x128x64xf32, #tpu.memory_space<hbm>>
      %dma_start3A_57 = tpu.memref_squeeze %dma_start3A_56 : memref<1x128x64xf32, #tpu.memory_space<hbm>> -> memref<128x64xf32, #tpu.memory_space<hbm>>
      %dma_start3A_58 = arith.constant 0 : i32
      %dma_start3A_59 = tpu.memref_slice %arg9[%add3A_47, %dma_start3A_58] : memref<10240x64xf32, #tpu.memory_space<vmem_shared>> -> memref<128x64xf32, #tpu.memory_space<vmem_shared>>
      tpu.enqueue_dma source(%dma_start3A_59 : memref<128x64xf32, #tpu.memory_space<vmem_shared>>) target(%dma_start3A_57 : memref<128x64xf32, #tpu.memory_space<hbm>>) target_semaphore(%run_scoped3A : memref<!tpu.dma_semaphore, #tpu.memory_space<semaphore_mem>>)
      %dma_wait3A = arith.constant 0 : i32
      %dma_wait3A_60 = tpu.memref_slice %arg5[%arg0, %add3A_47, %dma_wait3A] : memref<2x10240x64xf32, #tpu.memory_space<hbm>> -> memref<1x128x64xf32, #tpu.memory_space<hbm>>
      %dma_wait3A_61 = tpu.memref_squeeze %dma_wait3A_60 : memref<1x128x64xf32, #tpu.memory_space<hbm>> -> memref<128x64xf32, #tpu.memory_space<hbm>>
      %dma_wait3A_62 = arith.constant 0 : i32
      %dma_wait3A_63 = tpu.memref_slice %arg9[%add3A_47, %dma_wait3A_62] : memref<10240x64xf32, #tpu.memory_space<vmem_shared>> -> memref<128x64xf32, #tpu.memory_space<vmem_shared>>
      tpu.wait_dma2 semaphore(%run_scoped3A : memref<!tpu.dma_semaphore, #tpu.memory_space<semaphore_mem>>) src(%dma_wait3A_63 : memref<128x64xf32, #tpu.memory_space<vmem_shared>>) dst(%dma_wait3A_61 : memref<128x64xf32, #tpu.memory_space<hbm>>)
      tpu.yield
    }) : () -> ()
    %mul3A_48 = arith.constant 640 : i32
    %mul3A_49 = arith.muli %arg1, %mul3A_48 : i32
    %add3A_50 = arith.constant 384 : i32
    %add3A_51 = arith.addi %mul3A_49, %add3A_50 : i32
    "tpu.region"() ({
      %run_scoped3A = tpu.sem_alloc : memref<!tpu.dma_semaphore, #tpu.memory_space<semaphore_mem>>
      %dma_start3A = arith.constant 0 : i32
      %dma_start3A_56 = tpu.memref_slice %arg5[%arg0, %add3A_51, %dma_start3A] : memref<2x10240x64xf32, #tpu.memory_space<hbm>> -> memref<1x128x64xf32, #tpu.memory_space<hbm>>
      %dma_start3A_57 = tpu.memref_squeeze %dma_start3A_56 : memref<1x128x64xf32, #tpu.memory_space<hbm>> -> memref<128x64xf32, #tpu.memory_space<hbm>>
      %dma_start3A_58 = arith.constant 0 : i32
      %dma_start3A_59 = tpu.memref_slice %arg9[%add3A_51, %dma_start3A_58] : memref<10240x64xf32, #tpu.memory_space<vmem_shared>> -> memref<128x64xf32, #tpu.memory_space<vmem_shared>>
      tpu.enqueue_dma source(%dma_start3A_59 : memref<128x64xf32, #tpu.memory_space<vmem_shared>>) target(%dma_start3A_57 : memref<128x64xf32, #tpu.memory_space<hbm>>) target_semaphore(%run_scoped3A : memref<!tpu.dma_semaphore, #tpu.memory_space<semaphore_mem>>)
      %dma_wait3A = arith.constant 0 : i32
      %dma_wait3A_60 = tpu.memref_slice %arg5[%arg0, %add3A_51, %dma_wait3A] : memref<2x10240x64xf32, #tpu.memory_space<hbm>> -> memref<1x128x64xf32, #tpu.memory_space<hbm>>
      %dma_wait3A_61 = tpu.memref_squeeze %dma_wait3A_60 : memref<1x128x64xf32, #tpu.memory_space<hbm>> -> memref<128x64xf32, #tpu.memory_space<hbm>>
      %dma_wait3A_62 = arith.constant 0 : i32
      %dma_wait3A_63 = tpu.memref_slice %arg9[%add3A_51, %dma_wait3A_62] : memref<10240x64xf32, #tpu.memory_space<vmem_shared>> -> memref<128x64xf32, #tpu.memory_space<vmem_shared>>
      tpu.wait_dma2 semaphore(%run_scoped3A : memref<!tpu.dma_semaphore, #tpu.memory_space<semaphore_mem>>) src(%dma_wait3A_63 : memref<128x64xf32, #tpu.memory_space<vmem_shared>>) dst(%dma_wait3A_61 : memref<128x64xf32, #tpu.memory_space<hbm>>)
      tpu.yield
    }) : () -> ()
    %mul3A_52 = arith.constant 640 : i32
    %mul3A_53 = arith.muli %arg1, %mul3A_52 : i32
    %add3A_54 = arith.constant 512 : i32
    %add3A_55 = arith.addi %mul3A_53, %add3A_54 : i32
    "tpu.region"() ({
      %run_scoped3A = tpu.sem_alloc : memref<!tpu.dma_semaphore, #tpu.memory_space<semaphore_mem>>
      %dma_start3A = arith.constant 0 : i32
      %dma_start3A_56 = tpu.memref_slice %arg5[%arg0, %add3A_55, %dma_start3A] : memref<2x10240x64xf32, #tpu.memory_space<hbm>> -> memref<1x128x64xf32, #tpu.memory_space<hbm>>
      %dma_start3A_57 = tpu.memref_squeeze %dma_start3A_56 : memref<1x128x64xf32, #tpu.memory_space<hbm>> -> memref<128x64xf32, #tpu.memory_space<hbm>>
      %dma_start3A_58 = arith.constant 0 : i32
      %dma_start3A_59 = tpu.memref_slice %arg9[%add3A_55, %dma_start3A_58] : memref<10240x64xf32, #tpu.memory_space<vmem_shared>> -> memref<128x64xf32, #tpu.memory_space<vmem_shared>>
      tpu.enqueue_dma source(%dma_start3A_59 : memref<128x64xf32, #tpu.memory_space<vmem_shared>>) target(%dma_start3A_57 : memref<128x64xf32, #tpu.memory_space<hbm>>) target_semaphore(%run_scoped3A : memref<!tpu.dma_semaphore, #tpu.memory_space<semaphore_mem>>)
      %dma_wait3A = arith.constant 0 : i32
      %dma_wait3A_60 = tpu.memref_slice %arg5[%arg0, %add3A_55, %dma_wait3A] : memref<2x10240x64xf32, #tpu.memory_space<hbm>> -> memref<1x128x64xf32, #tpu.memory_space<hbm>>
      %dma_wait3A_61 = tpu.memref_squeeze %dma_wait3A_60 : memref<1x128x64xf32, #tpu.memory_space<hbm>> -> memref<128x64xf32, #tpu.memory_space<hbm>>
      %dma_wait3A_62 = arith.constant 0 : i32
      %dma_wait3A_63 = tpu.memref_slice %arg9[%add3A_55, %dma_wait3A_62] : memref<10240x64xf32, #tpu.memory_space<vmem_shared>> -> memref<128x64xf32, #tpu.memory_space<vmem_shared>>
      tpu.wait_dma2 semaphore(%run_scoped3A : memref<!tpu.dma_semaphore, #tpu.memory_space<semaphore_mem>>) src(%dma_wait3A_63 : memref<128x64xf32, #tpu.memory_space<vmem_shared>>) dst(%dma_wait3A_61 : memref<128x64xf32, #tpu.memory_space<hbm>>)
      tpu.yield
    }) : () -> ()
    return
  }
}

module attributes {stable_mosaic.version = 14 : i64} {
  func.func @_mm2_body(%arg0: memref<10000x128xf32, #tpu.memory_space<vmem>>, %arg1: memref<128x128xf32, #tpu.memory_space<vmem>>, %arg2: memref<128x128xf32, #tpu.memory_space<vmem>>, %arg3: memref<10000x128xf32, #tpu.memory_space<vmem>>, %arg4: memref<10000x128xf32, #tpu.memory_space<vmem>>) attributes {dimension_semantics = [], scalar_prefetch = 0 : i64, scratch_operands = 0 : i64, tpu.core_type = #tpu.core_type<tc>} {
    %get3A = arith.constant 0 : index
    %get3A_0 = arith.constant 0 : index
    %get3A_1 = vector.load %arg0[%get3A, %get3A_0] : memref<10000x128xf32, #tpu.memory_space<vmem>>, vector<10000x128xf32>
    %get3A_2 = arith.constant 0 : index
    %get3A_3 = arith.constant 0 : index
    %get3A_4 = vector.load %arg1[%get3A_2, %get3A_3] : memref<128x128xf32, #tpu.memory_space<vmem>>, vector<128x128xf32>
    %dot_general3A = arith.constant dense<0.000000e+00> : vector<10000x128xf32>
    %dot_general3A_5 = tpu.matmul %get3A_1, %get3A_4, %dot_general3A {dimension_numbers = #tpu.dot_dimension_numbers<[1], [0], [0], [1], [0, 0, 1, 1], [], []>, transpose_lhs_hint = false} : vector<10000x128xf32>, vector<128x128xf32>, vector<10000x128xf32> -> vector<10000x128xf32>
    %swap3A = arith.constant 0 : index
    %swap3A_6 = arith.constant 0 : index
    %swap3A_7 = vector.load %arg3[%swap3A, %swap3A_6] : memref<10000x128xf32, #tpu.memory_space<vmem>>, vector<10000x128xf32>
    tpu.vector_store %arg3[%swap3A, %swap3A_6], %dot_general3A_5 {strides = array<i32>} : memref<10000x128xf32, #tpu.memory_space<vmem>>, vector<10000x128xf32>,
    %get3A_8 = arith.constant 0 : index
    %get3A_9 = arith.constant 0 : index
    %get3A_10 = vector.load %arg2[%get3A_8, %get3A_9] : memref<128x128xf32, #tpu.memory_space<vmem>>, vector<128x128xf32>
    %dot_general3A_11 = arith.constant dense<0.000000e+00> : vector<10000x128xf32>
    %dot_general3A_12 = tpu.matmul %get3A_1, %get3A_10, %dot_general3A_11 {dimension_numbers = #tpu.dot_dimension_numbers<[1], [0], [0], [1], [0, 0, 1, 1], [], []>, transpose_lhs_hint = false} : vector<10000x128xf32>, vector<128x128xf32>, vector<10000x128xf32> -> vector<10000x128xf32>
    %swap3A_13 = arith.constant 0 : index
    %swap3A_14 = arith.constant 0 : index
    %swap3A_15 = vector.load %arg4[%swap3A_13, %swap3A_14] : memref<10000x128xf32, #tpu.memory_space<vmem>>, vector<10000x128xf32>
    tpu.vector_store %arg4[%swap3A_13, %swap3A_14], %dot_general3A_12 {strides = array<i32>} : memref<10000x128xf32, #tpu.memory_space<vmem>>, vector<10000x128xf32>,
    return
  }
}

module attributes {stable_mosaic.version = 14 : i64} {
  func.func @_layer1_body(%arg0: memref<10000x128xf32, #tpu.memory_space<vmem>>, %arg1: memref<2x10240x128xf32, #tpu.memory_space<vmem>>, %arg2: memref<2x10240x1xf32, #tpu.memory_space<vmem>>, %arg3: memref<1x128xf32, #tpu.memory_space<vmem>>, %arg4: memref<128x64xf32, #tpu.memory_space<vmem>>, %arg5: memref<128x64xf32, #tpu.memory_space<vmem>>, %arg6: memref<10000x64xf32, #tpu.memory_space<vmem>>, %arg7: memref<10000x64xf32, #tpu.memory_space<vmem>>, %arg8: memref<10000x1xf32, #tpu.memory_space<vmem>>) attributes {dimension_semantics = [], scalar_prefetch = 0 : i64, scratch_operands = 0 : i64, tpu.core_type = #tpu.core_type<tc>} {
    %get3A = arith.constant 0 : index
    %get3A_0 = arith.constant 0 : index
    %get3A_1 = arith.constant 0 : index
    %get3A_2 = vector.load %arg1[%get3A, %get3A_0, %get3A_1] : memref<2x10240x128xf32, #tpu.memory_space<vmem>>, vector<1x10000x128xf32>
    %get3A_3 = vector.shape_cast %get3A_2 : vector<1x10000x128xf32> to vector<10000x128xf32>
    %get3A_4 = arith.constant 1 : index
    %get3A_5 = arith.constant 0 : index
    %get3A_6 = arith.constant 0 : index
    %get3A_7 = vector.load %arg1[%get3A_4, %get3A_5, %get3A_6] : memref<2x10240x128xf32, #tpu.memory_space<vmem>>, vector<1x10000x128xf32>
    %get3A_8 = vector.shape_cast %get3A_7 : vector<1x10000x128xf32> to vector<10000x128xf32>
    %add3A = arith.addf %get3A_3, %get3A_8 : vector<10000x128xf32>
    %get3A_9 = arith.constant 0 : index
    %get3A_10 = arith.constant 0 : index
    %get3A_11 = arith.constant 0 : index
    %get3A_12 = vector.load %arg2[%get3A_9, %get3A_10, %get3A_11] : memref<2x10240x1xf32, #tpu.memory_space<vmem>>, vector<1x10000x1xf32>
    %get3A_13 = vector.shape_cast %get3A_12 : vector<1x10000x1xf32> to vector<10000x1xf32>
    %get3A_14 = arith.constant 1 : index
    %get3A_15 = arith.constant 0 : index
    %get3A_16 = arith.constant 0 : index
    %get3A_17 = vector.load %arg2[%get3A_14, %get3A_15, %get3A_16] : memref<2x10240x1xf32, #tpu.memory_space<vmem>>, vector<1x10000x1xf32>
    %get3A_18 = vector.shape_cast %get3A_17 : vector<1x10000x1xf32> to vector<10000x1xf32>
    %add3A_19 = arith.addf %get3A_13, %get3A_18 : vector<10000x1xf32>
    %max3A = arith.constant 1.000000e+00 : f32
    %max3A_20 = vector.broadcast %max3A : f32 to vector<10000x1xf32>
    %max3A_21 = arith.maximumf %add3A_19, %max3A_20 : vector<10000x1xf32>
    %div3A = vector.broadcast %max3A_21 : vector<10000x1xf32> to vector<10000x128xf32>
    %div3A_22 = arith.divf %add3A, %div3A : vector<10000x128xf32>
    %get3A_23 = arith.constant 0 : index
    %get3A_24 = arith.constant 0 : index
    %get3A_25 = vector.load %arg0[%get3A_23, %get3A_24] : memref<10000x128xf32, #tpu.memory_space<vmem>>, vector<10000x128xf32>
    %add3A_26 = arith.addf %get3A_25, %div3A_22 : vector<10000x128xf32>
    %get3A_27 = arith.constant 0 : index
    %get3A_28 = arith.constant 0 : index
    %get3A_29 = vector.load %arg3[%get3A_27, %get3A_28] : memref<1x128xf32, #tpu.memory_space<vmem>>, vector<1x128xf32>
    %add3A_30 = vector.broadcast %get3A_29 : vector<1x128xf32> to vector<10000x128xf32>
    %add3A_31 = arith.addf %add3A_26, %add3A_30 : vector<10000x128xf32>
    %max3A_32 = arith.constant 0.000000e+00 : f32
    %max3A_33 = vector.broadcast %max3A_32 : f32 to vector<10000x128xf32>
    %max3A_34 = arith.maximumf %add3A_31, %max3A_33 : vector<10000x128xf32>
    %get3A_35 = arith.constant 0 : index
    %get3A_36 = arith.constant 0 : index
    %get3A_37 = vector.load %arg4[%get3A_35, %get3A_36] : memref<128x64xf32, #tpu.memory_space<vmem>>, vector<128x64xf32>
    %dot_general3A = arith.constant dense<0.000000e+00> : vector<10000x64xf32>
    %dot_general3A_38 = tpu.matmul %max3A_34, %get3A_37, %dot_general3A {dimension_numbers = #tpu.dot_dimension_numbers<[1], [0], [0], [1], [0, 0, 1, 1], [], []>, transpose_lhs_hint = false} : vector<10000x128xf32>, vector<128x64xf32>, vector<10000x64xf32> -> vector<10000x64xf32>
    %swap3A = arith.constant 0 : index
    %swap3A_39 = arith.constant 0 : index
    %swap3A_40 = vector.load %arg6[%swap3A, %swap3A_39] : memref<10000x64xf32, #tpu.memory_space<vmem>>, vector<10000x64xf32>
    tpu.vector_store %arg6[%swap3A, %swap3A_39], %dot_general3A_38 {strides = array<i32>} : memref<10000x64xf32, #tpu.memory_space<vmem>>, vector<10000x64xf32>,
    %get3A_41 = arith.constant 0 : index
    %get3A_42 = arith.constant 0 : index
    %get3A_43 = vector.load %arg5[%get3A_41, %get3A_42] : memref<128x64xf32, #tpu.memory_space<vmem>>, vector<128x64xf32>
    %dot_general3A_44 = arith.constant dense<0.000000e+00> : vector<10000x64xf32>
    %dot_general3A_45 = tpu.matmul %max3A_34, %get3A_43, %dot_general3A_44 {dimension_numbers = #tpu.dot_dimension_numbers<[1], [0], [0], [1], [0, 0, 1, 1], [], []>, transpose_lhs_hint = false} : vector<10000x128xf32>, vector<128x64xf32>, vector<10000x64xf32> -> vector<10000x64xf32>
    %swap3A_46 = arith.constant 0 : index
    %swap3A_47 = arith.constant 0 : index
    %swap3A_48 = vector.load %arg7[%swap3A_46, %swap3A_47] : memref<10000x64xf32, #tpu.memory_space<vmem>>, vector<10000x64xf32>
    tpu.vector_store %arg7[%swap3A_46, %swap3A_47], %dot_general3A_45 {strides = array<i32>} : memref<10000x64xf32, #tpu.memory_space<vmem>>, vector<10000x64xf32>,
    %swap3A_49 = arith.constant 0 : index
    %swap3A_50 = arith.constant 0 : index
    %swap3A_51 = vector.load %arg8[%swap3A_49, %swap3A_50] : memref<10000x1xf32, #tpu.memory_space<vmem>>, vector<10000x1xf32>
    tpu.vector_store %arg8[%swap3A_49, %swap3A_50], %add3A_19 {strides = array<i32>} : memref<10000x1xf32, #tpu.memory_space<vmem>>, vector<10000x1xf32>,
    return
  }
}

module attributes {stable_mosaic.version = 14 : i64} {
  func.func @_layer2_body(%arg0: memref<10000x64xf32, #tpu.memory_space<vmem>>, %arg1: memref<2x10240x64xf32, #tpu.memory_space<vmem>>, %arg2: memref<10000x1xf32, #tpu.memory_space<vmem>>, %arg3: memref<1x64xf32, #tpu.memory_space<vmem>>, %arg4: memref<1x64xf32, #tpu.memory_space<vmem>>, %arg5: memref<1x1xf32, #tpu.memory_space<vmem>>, %arg6: memref<1x64xf32, #tpu.memory_space<vmem>>) attributes {dimension_semantics = [], scalar_prefetch = 0 : i64, scratch_operands = 0 : i64, tpu.core_type = #tpu.core_type<tc>} {
    %get3A = arith.constant 0 : index
    %get3A_0 = arith.constant 0 : index
    %get3A_1 = arith.constant 0 : index
    %get3A_2 = vector.load %arg1[%get3A, %get3A_0, %get3A_1] : memref<2x10240x64xf32, #tpu.memory_space<vmem>>, vector<1x10000x64xf32>
    %get3A_3 = vector.shape_cast %get3A_2 : vector<1x10000x64xf32> to vector<10000x64xf32>
    %get3A_4 = arith.constant 1 : index
    %get3A_5 = arith.constant 0 : index
    %get3A_6 = arith.constant 0 : index
    %get3A_7 = vector.load %arg1[%get3A_4, %get3A_5, %get3A_6] : memref<2x10240x64xf32, #tpu.memory_space<vmem>>, vector<1x10000x64xf32>
    %get3A_8 = vector.shape_cast %get3A_7 : vector<1x10000x64xf32> to vector<10000x64xf32>
    %add3A = arith.addf %get3A_3, %get3A_8 : vector<10000x64xf32>
    %get3A_9 = arith.constant 0 : index
    %get3A_10 = arith.constant 0 : index
    %get3A_11 = vector.load %arg2[%get3A_9, %get3A_10] : memref<10000x1xf32, #tpu.memory_space<vmem>>, vector<10000x1xf32>
    %get3A_12 = arith.constant 0 : index
    %get3A_13 = arith.constant 0 : index
    %get3A_14 = vector.load %arg0[%get3A_12, %get3A_13] : memref<10000x64xf32, #tpu.memory_space<vmem>>, vector<10000x64xf32>
    %max3A = arith.constant 1.000000e+00 : f32
    %max3A_15 = vector.broadcast %max3A : f32 to vector<10000x1xf32>
    %max3A_16 = arith.maximumf %get3A_11, %max3A_15 : vector<10000x1xf32>
    %div3A = vector.broadcast %max3A_16 : vector<10000x1xf32> to vector<10000x64xf32>
    %div3A_17 = arith.divf %add3A, %div3A : vector<10000x64xf32>
    %add3A_18 = arith.addf %get3A_14, %div3A_17 : vector<10000x64xf32>
    %get3A_19 = arith.constant 0 : index
    %get3A_20 = arith.constant 0 : index
    %get3A_21 = vector.load %arg3[%get3A_19, %get3A_20] : memref<1x64xf32, #tpu.memory_space<vmem>>, vector<1x64xf32>
    %add3A_22 = vector.broadcast %get3A_21 : vector<1x64xf32> to vector<10000x64xf32>
    %add3A_23 = arith.addf %add3A_18, %add3A_22 : vector<10000x64xf32>
    %get3A_24 = arith.constant 0 : index
    %get3A_25 = arith.constant 0 : index
    %get3A_26 = vector.load %arg4[%get3A_24, %get3A_25] : memref<1x64xf32, #tpu.memory_space<vmem>>, vector<1x64xf32>
    %mul3A = vector.broadcast %get3A_26 : vector<1x64xf32> to vector<10000x64xf32>
    %mul3A_27 = arith.mulf %add3A_23, %mul3A : vector<10000x64xf32>
    %reduce_sum3A = arith.constant dense<0.000000e+00> : vector<10000xf32>
    %reduce_sum3A_28 = vector.multi_reduction <add>, %mul3A_27, %reduce_sum3A [1] : vector<10000x64xf32> to vector<10000xf32>
    %broadcast_in_dim3A = vector.shape_cast %reduce_sum3A_28 : vector<10000xf32> to vector<10000x1xf32>
    %get3A_29 = arith.constant 0 : index
    %get3A_30 = arith.constant 0 : index
    %get3A_31 = vector.load %arg5[%get3A_29, %get3A_30] : memref<1x1xf32, #tpu.memory_space<vmem>>, vector<1x1xf32>
    %get3A_32 = vector.extract %get3A_31[0, 0] : f32 from vector<1x1xf32>
    %add3A_33 = vector.broadcast %get3A_32 : f32 to vector<10000x1xf32>
    %add3A_34 = arith.addf %broadcast_in_dim3A, %add3A_33 : vector<10000x1xf32>
    %reduce_max3A = vector.shape_cast %add3A_34 : vector<10000x1xf32> to vector<1x10000x1xf32>
    %reduce_max3A_35 = arith.constant dense<0xFF800000> : vector<1xf32>
    %reduce_max3A_36 = vector.multi_reduction <maximumf>, %reduce_max3A, %reduce_max3A_35 [1, 2] : vector<1x10000x1xf32> to vector<1xf32>
    %reduce_max3A_37 = vector.shape_cast %reduce_max3A_36 : vector<1xf32> to vector<1x1x1xf32>
    %reduce_max3A_38 = vector.extract %reduce_max3A_37[0, 0, 0] : f32 from vector<1x1x1xf32>
    %sub3A = vector.broadcast %reduce_max3A_38 : f32 to vector<10000x1xf32>
    %sub3A_39 = arith.subf %add3A_34, %sub3A : vector<10000x1xf32>
    %exp3A = math.exp %sub3A_39 : vector<10000x1xf32>
    %reduce_sum3A_40 = vector.shape_cast %exp3A : vector<10000x1xf32> to vector<1x10000x1xf32>
    %reduce_sum3A_41 = arith.constant dense<0.000000e+00> : vector<1xf32>
    %reduce_sum3A_42 = vector.multi_reduction <add>, %reduce_sum3A_40, %reduce_sum3A_41 [1, 2] : vector<1x10000x1xf32> to vector<1xf32>
    %reduce_sum3A_43 = vector.shape_cast %reduce_sum3A_42 : vector<1xf32> to vector<1x1x1xf32>
    %reduce_sum3A_44 = vector.extract %reduce_sum3A_43[0, 0, 0] : f32 from vector<1x1x1xf32>
    %div3A_45 = vector.broadcast %reduce_sum3A_44 : f32 to vector<10000x1xf32>
    %div3A_46 = arith.divf %exp3A, %div3A_45 : vector<10000x1xf32>
    %mul3A_47 = vector.broadcast %div3A_46 : vector<10000x1xf32> to vector<10000x64xf32>
    %mul3A_48 = arith.mulf %add3A_23, %mul3A_47 : vector<10000x64xf32>
    %reduce_sum3A_49 = arith.constant dense<0.000000e+00> : vector<64xf32>
    %reduce_sum3A_50 = vector.multi_reduction <add>, %mul3A_48, %reduce_sum3A_49 [0] : vector<10000x64xf32> to vector<64xf32>
    %broadcast_in_dim3A_51 = vector.shape_cast %reduce_sum3A_50 : vector<64xf32> to vector<1x64xf32>
    %swap3A = arith.constant 0 : index
    %swap3A_52 = arith.constant 0 : index
    %swap3A_53 = vector.load %arg6[%swap3A, %swap3A_52] : memref<1x64xf32, #tpu.memory_space<vmem>>, vector<1x64xf32>
    tpu.vector_store %arg6[%swap3A, %swap3A_52], %broadcast_in_dim3A_51 {strides = array<i32>} : memref<1x64xf32, #tpu.memory_space<vmem>>, vector<1x64xf32>,
    return
  }
}

</mosaic_0001>

<sc_bundles>
// kernel: kernel.10.cloned.1.call-start
scs
__scs_entry_jumppad:
0x0: {  	(pc) =	sbr.rel $0x88, $3  }
0x1: {  	(tag) =	ssettag $0x0;
	lr =	simm.s32 $0x1  }
0x2: {  	[smem:$0x3F97] =	sst lr;
	_ =	strace $0xD0000000  }
0x3: {  	_ = 	snop  }
0x4: {  	_ = 	snop  }
0x5: {  	_ = 	snop  }
0x6: {  	_ = 	snop  }
0x7: {  	_ = 	snop  }
__scs_overlays_trampoline_lowered:
0x8: {  	[smem:$0x3FA6] =	sst s0  }
0x9: {  	[smem:$0x3FA7] =	sst s1  }
0xa: {  	[smem:$0x3FA8] =	sst s2  }
0xb: {  	[smem:$0x3FA9] =	sst s3  }
0xc: {  	[smem:$0x3FAA] =	sst s4  }
0xd: {  	[smem:$0x3FAB] =	sst s5  }
0xe: {  	[smem:$0x3FAC] =	sst s6  }
0xf: {  	[smem:$0x3FAD] =	sst s7  }
0x10: {  	[smem:$0x3FAE] =	sst s8  }
0x11: {  	[smem:$0x3FAF] =	sst s9;
	s0 =	simm.s32 @!p0 $0x0  }
0x12: {  	s1 =	sld [smem:$0x3F95];
	s0 =	simm.s32 @p0 $0x1  }
0x13: {  	[smem:$0x3FB0] =	sst s0;
	s0 =	simm.s32 @!p1 $0x0  }
0x14: {  	s2 =	sld [smem:$0x3F94];
	s0 =	simm.s32 @p1 $0x1  }
0x15: {  	[smem:$0x3FB1] =	sst s0;
	s0 =	simm.s32 @!p2 $0x0  }
0x16: {  	s3 =	sld [smem:$0x3FDB];
	s0 =	simm.s32 @p2 $0x1  }
0x17: {  	s4 =	simm.s32 $0x1BF5;
	[smem:$0x3FB3] =	sst s0  }
0x18: {  	s0 =	sld [smem:$0x3F96];
	_ =	swait.ge [sflag:s4], $0x0  }
0x19: {  	s7 =	sld [smem:$0x3F97]  }
0x1a: {  	s8 =	sadd.s32 $0xFFFFE003, lr  }
0x1b: {  	s9 =	sadd.s32 $0xFFFFFEF7, lr;
	s5 =	simm.s32 $0xFFFFFFFF;
	p2 =	slt.u32 s8, $0xFFFFF086  }
0x1c: {  	p1 =	slt.u32 s9, $0xF7A;
	s5 =	simm.s32 @!p2 $0x0  }
0x1d: {  	s5 =	simm.s32 @p1 $0x1;
	p0 =	seq.s32 s7, s2  }
0x1e: {  	s7 =	smul.u32 @!p0 $0xF7A, s2;
	p2 =	seq.s32 @!p0 s5, $0x0  }
0x1f: {  	s9 =	smul.u32 $0xF7A, s1;
	s8 =	simm.s32 @!p0 $0x1BF5;
	p2 =	por !p2, p0  }
0x20: {  	[sflag:s8] =	ssyncset.s32 @!p0 $0xFFFFF086;
	s6 =	sadd.s32 @!p0 s3, s7;
	s7 =	simm.s32 @!p0 $0x108  }
0x21: {  	s3 =	sadd.s32 s3, s9;
	s6 =	sadd.s32 @!p0 $0x88, s6;
	s7 =	simm.s32 @p2 $0x1082  }
0x22: {  	[simem:s7], [sflag:s8] =	dma.local @!p0 [hbm:s6], $0xF7A  }
0x23: {  	s9 =	sor.u32 $0xD0000000, s2;
	s6 =	simm.s32 $0x108;
	_ =	swait.ge @!p0 [sflag:s8], $0x0  }
0x24: {  	s3 =	sadd.s32 $0x88, s3;
	s6 =	simm.s32 @!p1 $0x1082;
	[sflag:s4] =	ssyncset.s32 $0xFFFFF086  }
0x25: {  	[simem:s6], [sflag:s4] =	dma.local [hbm:s3], $0xF7A  }
0x26: {  	[smem:$0x3F97] =	sst s1;
	(tag) =	ssettag s2;
	_ =	strace s9  }
0x27: {  	s1 =	sld [smem:$0x3FA7]  }
0x28: {  	s2 =	sld [smem:$0x3FA8]  }
0x29: {  	s4 =	sld [smem:$0x3FAA]  }
0x2a: {  	p0 =	seq.s32 s5, $0x0;
	s5 =	sld [smem:$0x3FAB]  }
0x2b: {  	s6 =	sld [smem:$0x3FAC]  }
0x2c: {  	s7 =	sld [smem:$0x3FAD]  }
0x2d: {  	s3 =	simm.s32 $0x108;
	s8 =	sld [smem:$0x3FAE]  }
0x2e: {  	s3 =	simm.s32 @!p0 $0x1082;
	s9 =	sld [smem:$0x3FAF]  }
0x2f: {  	lr =	sadd.s32 s0, s3;
	s0 =	sld [smem:$0x3FA6]  }
0x30: {  	s3 =	sld [smem:$0x3FA9]  }
0x31: {  	[smem:$0x3FB2] =	sst s10  }
0x32: {  	s10 =	sld [smem:$0x3FB0];
	_ =	sdelay $0x3  }
0x33: {  	p0 =	seq.s32 s10, $0x1;
	s10 =	sld [smem:$0x3FB2];
	_ =	sdelay $0x3  }
0x34: {  	[smem:$0x3FB2] =	sst s10  }
0x35: {  	s10 =	sld [smem:$0x3FB1];
	_ =	sdelay $0x3  }
0x36: {  	p1 =	seq.s32 s10, $0x1;
	s10 =	sld [smem:$0x3FB2];
	_ =	sdelay $0x3  }
0x37: {  	[smem:$0x3FB2] =	sst s10  }
0x38: {  	s10 =	sld [smem:$0x3FB3]  }
0x39: {  	_ = 	snop;
	(pc) =	sbr.ind lr, $3  }
0x3a: {  	_ = 	snop  }
0x3b: {  	_ = 	snop  }
0x3c: {  	p2 =	seq.s32 s10, $0x1;
	s10 =	sld [smem:$0x3FB2]  }
0x3d: {  	_ =	shalt  }
0x3e: {  	_ =	shalt  }
0x3f: {  	_ =	shalt  }
0x40: {  	_ =	shalt  }
0x41: {  	_ =	shalt  }
0x42: {  	_ =	shalt  }
0x43: {  	_ =	shalt  }
0x44: {  	_ =	shalt  }
0x45: {  	_ =	shalt  }
0x46: {  	_ =	shalt  }
0x47: {  	_ =	shalt  }
0x48: {  	_ =	shalt  }
0x49: {  	_ =	shalt  }
0x4a: {  	_ =	shalt  }
0x4b: {  	_ =	shalt  }
0x4c: {  	_ =	shalt  }
0x4d: {  	_ =	shalt  }
0x4e: {  	_ =	shalt  }
0x4f: {  	_ =	shalt  }
0x50: {  	_ =	shalt  }
0x51: {  	_ =	shalt  }
0x52: {  	_ =	shalt  }
0x53: {  	_ =	shalt  }
0x54: {  	_ =	shalt  }
0x55: {  	_ =	shalt  }
0x56: {  	_ =	shalt  }
0x57: {  	_ =	shalt  }
0x58: {  	_ =	shalt  }
0x59: {  	_ =	shalt  }
0x5a: {  	_ =	shalt  }
0x5b: {  	_ =	shalt  }
0x5c: {  	_ =	shalt  }
0x5d: {  	_ =	shalt  }
0x5e: {  	_ =	shalt  }
0x5f: {  	_ =	shalt  }
0x60: {  	_ =	shalt  }
0x61: {  	_ =	shalt  }
0x62: {  	_ =	shalt  }
0x63: {  	_ =	shalt  }
0x64: {  	_ =	shalt  }
0x65: {  	_ =	shalt  }
0x66: {  	_ =	shalt  }
0x67: {  	_ =	shalt  }
0x68: {  	_ =	shalt  }
0x69: {  	_ =	shalt  }
0x6a: {  	_ =	shalt  }
0x6b: {  	_ =	shalt  }
0x6c: {  	_ =	shalt  }
0x6d: {  	_ =	shalt  }
0x6e: {  	_ =	shalt  }
0x6f: {  	_ =	shalt  }
0x70: {  	_ =	shalt  }
0x71: {  	_ =	shalt  }
0x72: {  	_ =	shalt  }
0x73: {  	_ =	shalt  }
0x74: {  	_ =	shalt  }
0x75: {  	_ =	shalt  }
0x76: {  	_ =	shalt  }
0x77: {  	_ =	shalt  }
0x78: {  	_ =	shalt  }
0x79: {  	_ =	shalt  }
0x7a: {  	_ =	shalt  }
0x7b: {  	_ =	shalt  }
0x7c: {  	_ =	shalt  }
0x7d: {  	_ =	shalt  }
0x7e: {  	_ =	shalt  }
0x7f: {  	_ =	shalt  }
0x80: {  	_ =	shalt  }
0x81: {  	_ =	shalt  }
0x82: {  	_ =	shalt  }
0x83: {  	_ =	shalt  }
0x84: {  	_ =	shalt  }
0x85: {  	_ =	shalt  }
0x86: {  	_ =	shalt  }
0x87: {  	_ =	shalt  }
.Lfunc_end0:
.L_simem_size_0:
called_computation.1_lowered:
.L_overlay_start_0:
0x88: {  	s2 =	sld [smem:$0x3FD9]  }
0x89: {  	s3 =	sld [smem:$0x3FFE];
	_ =	sdelay $0x1  }
0x8a: {  	s1 =	srdreg.scid  }
0x8b: {  	s0 =	sand.u32 $0x1, s1  }
0x8c: {  	s16 =	sshll.u32 s0, $0xA;
	s2 =	sadd.s32 s3, s2  }
0x8d: {  	s2 =	sadd.s32 s2, s16  }
0x8e: {  	[smem:$0x3FBE] =	sst s2  }
0x8f: {  	_ = 	snop  }
0x90: {  	(tm) =	ssettm $0x1  }
0x91: {  	s17 =	sld [smem:$0x3FFB];
	_ =	sdelay $0x3  }
0x92: {  	_ =	strace s17  }
0x93: {  	s2 =	sld [smem:$0x3FFC];
	_ =	sdelay $0x3  }
0x94: {  	_ =	strace s2  }
0x95: {  	s2 =	sld [smem:$0x3FFD];
	_ =	sdelay $0x3  }
0x96: {  	_ =	strace s2  }
0x97: {  	_ =	strace $0x8FFFFFFF  }
0x98: {  	s18 =	sld [smem:$0x3FDB];
	_ =	sdelay $0x1  }
0x99: {  	s19 =	simm.s32 $_scs_section_size  }
0x9a: {  	s4 =	simm.s32 $_size__tile_overlayer_lowered;
	s5 =	simm.s32 $_tile_overlayer_lowered  }
0x9b: {  	s22 =	simm.s32 $0x1BFF;
	s21 =	sshll.u32 s5, $0x1;
	s2 =	sadd.s32 s19, s18  }
0x9c: {  	s6 =	simm.s32 $0x0;
	s20 =	sshll.u32 s4, $0x1;
	s4 =	sadd.s32 s21, s2  }
0x9d: {  	[timem:s6], [sflag:s22] =	dma.local [hbm:s4], s20  }
0x9e: {  	_ =	swait.ge [sflag:s22], s20  }
0x9f: {  	s3 =	ssub.s32 $0x0, s20;
	[sflag:s22] =	ssyncset.done $0x0  }
0xa0: {  	[sflag:s22] =	ssyncadd.s32 s3;
	_ =	sdelay $0x1  }
0xa1: {  	s23 =	simm.s32 $0x1B8B  }
0xa2: {  	_ =	swait.ge [sflag:s23], $0x1  }
0xa3: {  	[sflag:s23] =	ssyncset.done $0x0  }
0xa4: {  	s25 =	simm.s32 $0x1B8E;
	s24 =	sld [smem:$0x3FFE];
	[sflag:s23] =	ssyncadd.s32 $0xFFFFFFFF  }
0xa5: {  	s26 =	simm.s32 $execute0_lowered;
	[smem:$0x3FD2] =	sst s25  }
0xa6: {  	s4 =	sshll.u32 s26, $0x1;
	_ =	strace $0x80000049;
	[dreg:$0x1] =	wrdreg $0xFFFFFFFF  }
0xa7: {  	s28 =	simm.s32 $_size_execute0_lowered;
	s2 =	sadd.s32 s2, s4;
	[dreg:$0x0] =	wrdreg $0x0  }
0xa8: {  	s4 =	sshll.u32 s28, $0x1;
	[dreg:$0x2] =	wrdreg s2  }
0xa9: {  	[dreg:$0x3] =	wrdreg s4  }
0xaa: {  	[dreg:$0x4] =	wrdreg $0xC0  }
0xab: {  	_ =	task [dreg:s6], $0x5FFFF  }
0xac: {  	[dreg:$0x1] =	wrdreg $0xFFFFFFFF  }
0xad: {  	[dreg:$0x0] =	wrdreg $0x60  }
0xae: {  	[dreg:$0x2] =	wrdreg s24  }
0xaf: {  	[dreg:$0x3] =	wrdreg $0x21000  }
0xb0: {  	[dreg:$0x4] =	wrdreg $0x9  }
0xb1: {  	_ =	task.clear_ibuf [dreg:s6], $0x5FFFF;
	_ =	strace $0x90000049  }
0xb2: {  	s29 =	simm.s32 $0x9;
	_ =	strace $0x8000004B  }
0xb3: {  	_ =	swait.ge [sflag:s29], $0x1  }
0xb4: {  	[sflag:s29] =	ssyncadd.s32 $0xFFFFFFFF  }
0xb5: {  	_ =	strace $0x9000004B  }
0xb6: {  	_ =	sfence  }
0xb7: {  	s30 =	sld [smem:$0x0];
	_ =	sdelay $0x2  }
0xb8: {  	s31 =	sshll.u32 s1, $0xD;
	s1 =	sshrl.u32 s1, $0x2  }
0xb9: {  	s3 =	sand.u32 $0x4000, s31;
	s1 =	sadd.s32 s1, s30  }
0xba: {  	s0 =	sor.u32 s3, s0;
	s1 =	sshll.u32 s1, $0x11  }
0xbb: {  	s0 =	sor.u32 s1, s0  }
0xbc: {  	s0 =	sadd.s32 $0x8F2B, s0  }
0xbd: {  	[sflag:s0] =	ssyncadd.remote.s32 $0x1  }
0xbe: {  	_ =	sfence.sel $0xFFFF  }
0xbf: {  	[dreg:$0x0] =	wrdreg $0xFFFFFFFF;
	(pc) =	sbr.abs _section_cstart, $3  }
0xc0: {  	[dreg:$0x1] =	wrdreg $0xFFFFFFFF  }
0xc1: {  	_ =	task.clear_ibuf [dreg:s6], $0x2FFFF;
	_ =	strace $0x9FFFFFFF  }
0xc2: {  	(tm) =	ssettm $0x7FFFFFFF  }
0xc3: {  	_ =	shalt  }
tec
execute0_lowered:
.L_overlay_start_1:
0x0: {  	(tag) =	ssettag $0x1  }
0x1: {  	s5 =	rddreg [dreg:$0x0]  }
0x2: {  	s2 =	rddreg [dreg:$0x1]  }
0x3: {  	s0 =	rddreg [dreg:$0x2]  }
0x4: {  	s4 =	srdreg.scid;
	s1 =	stileid.u32  }
0x5: {  	s3 =	simm.s32 $0x0;
	s19 =	simm.s32 $0x2;
	s20 =	simm.s32 $0x80  }
0x6: {  	s21 =	simm.s32 $0x1;
	s22 =	simm.s32 $0x0;
	s7 =	smul.u32 $0x5000, s1  }
0x7: {  	s6 =	sand.u32 $0x1, s4;
	[smem:$0x7FF] =	sst s3;
	s10 =	smul.u32 $0xA000, s1  }
0x8: {  	s4 =	sadd.s32 $0x15A00, s5;
	s14 =	sadd.s32 $0x29400, s5;
	s8 =	smul.u32 $0x2800, s6  }
0x9: {  	_ =	strace $0x8000004A;
	s26 =	ssub.s32 $0x2, s6;
	s12 =	smul.u32 $0xA0000, s6  }
0xa: {  	s9 =	sshrl.u32 s26, $0x1;
	s28 =	sadd.s32 $0x2000, s10;
	s13 =	sadd.s32 $0x4000, s10  }
0xb: {  	s16 =	sadd.s32 $0x6000, s10;
	s18 =	sadd.s32 $0x8000, s10;
	s7 =	sadd.s32 s8, s7  }
0xc: {  	s15 =	ssub.s32 s26, s9;
	s6 =	sadd.s32 s28, s2;
	s8 =	sadd.s32 s16, s2  }
0xd: {  	s11 =	sadd.s32 s10, s12;
	s30 =	sadd.s32 s12, s28;
	s9 =	sadd.s32 s18, s2  }
0xe: {  	s16 =	sadd.s32 s12, s16;
	s18 =	sadd.s32 s12, s18;
	s7 =	sshrl.u32 s7, $0x3  }
0xf: {  	s29 =	sshrl.u32 s11, $0x3;
	s11 =	sshrl.u32 s30, $0x3;
	s16 =	sshrl.u32 s16, $0x3  }
0x10: {  	s31 =	sshrl.u32 s18, $0x3;
	s15 =	smax.u32 s15, $0x1;
	s18 =	simm.s32 $0x100  }
0x11: {  	s17 =	sadd.s32 s7, s5;
	s7 =	sadd.s32 s13, s2;
	s13 =	sadd.s32 s12, s13  }
0x12: {  	s5 =	sadd.s32 s10, s2;
	s10 =	sadd.s32 s14, s29;
	s13 =	sshrl.u32 s13, $0x3  }
0x13: {  	s11 =	sadd.s32 s14, s11;
	s12 =	sadd.s32 s14, s13;
	s13 =	sadd.s32 s14, s16  }
0x14: {  	v0 =	vimm.f32 $0.0e+00;
	s14 =	sadd.s32 s14, s31;
	s16 =	sadd.s32 $0x1A00, s17;
	s17 =	sadd.s32 $0xBA00, s17  }
.LBB2_1:
0x15: {  	s24 =	simm.s32 $0x100;
	s23 =	simm.s32 $0x0  }
.LBB2_2:
0x16: {  	p0 =	sne.s32 s24, $0x7F00;
	[tilespmem:s23+$0x130] =	vst v0;
	s25 =	smov.u32 s24;
	s24 =	sadd.s32 $0x100, s24  }
.Ltmp0:
0x17: {  	[tilespmem:s23+$0x120] =	vst v0;
	(pc) =	sbr.rel @p0 .LBB2_2-.Ltmp0, $3  }
0x18: {  	[tilespmem:s23+$0x100] =	vst v0  }
0x19: {  	[tilespmem:s23+$0x110] =	vst v0;
	_ =	sdelay $0x1  }
0x1a: {  	s23 =	sshra.s32 s25, $0x2  }
0x1b: {  	[tilespmem:s23+$0x130] =	vst v0  }
0x1c: {  	[tilespmem:s23+$0x120] =	vst v0  }
0x1d: {  	[tilespmem:s23+$0x100] =	vst v0  }
0x1e: {  	[tilespmem:s23+$0x110] =	vst v0  }
0x1f: {  	[spmem:s5] =	stream.linear.scatter [tilespmem:s18], [sflag:$0x2], $0x2000, $0x38;
	[tilespmem:$0xC100] =	vst v63  }
0x20: {  	_ =	swait.ge [sflag:s19], $0x2000  }
0x21: {  	[sflag:s19] =	ssyncset.done $0x0  }
0x22: {  	[sflag:s19] =	ssyncadd.s32 $0xFFFFE000  }
0x23: {  	[spmem:s6] =	stream.linear.scatter [tilespmem:s18], [sflag:$0x2], $0x2000, $0x38;
	[tilespmem:$0xC100] =	vst v63  }
0x24: {  	_ =	swait.ge [sflag:s19], $0x2000  }
0x25: {  	[sflag:s19] =	ssyncset.done $0x0  }
0x26: {  	[sflag:s19] =	ssyncadd.s32 $0xFFFFE000  }
0x27: {  	[spmem:s7] =	stream.linear.scatter [tilespmem:s18], [sflag:$0x2], $0x2000, $0x38;
	[tilespmem:$0xC100] =	vst v63  }
0x28: {  	_ =	swait.ge [sflag:s19], $0x2000  }
0x29: {  	[sflag:s19] =	ssyncset.done $0x0  }
0x2a: {  	[sflag:s19] =	ssyncadd.s32 $0xFFFFE000  }
0x2b: {  	[spmem:s8] =	stream.linear.scatter [tilespmem:s18], [sflag:$0x2], $0x2000, $0x38;
	[tilespmem:$0xC100] =	vst v63  }
0x2c: {  	_ =	swait.ge [sflag:s19], $0x2000  }
0x2d: {  	[sflag:s19] =	ssyncset.done $0x0  }
0x2e: {  	[sflag:s19] =	ssyncadd.s32 $0xFFFFE000  }
0x2f: {  	[spmem:s9] =	stream.linear.scatter [tilespmem:s18], [sflag:$0x2], $0x2000, $0x38;
	[tilespmem:$0xC100] =	vst v63  }
0x30: {  	_ =	swait.ge [sflag:s19], $0x2000  }
0x31: {  	[sflag:s19] =	ssyncset.done $0x0  }
0x32: {  	[sflag:s19] =	ssyncadd.s32 $0xFFFFE000  }
0x33: {  	s30 =	sadd.s32 $0x0, s17;
	[bflag:$0x0] =	sbarrier.arrive $0xFFFF  }
0x34: {  	[tilespmem:s3], [sflag:$0x2] =	stream.linear.gather [hbm4b:s30+s3], $0x80, $0x38;
	[tilespmem:$0xC100] =	vst v63  }
0x35: {  	_ =	swait.ge [sflag:s19], $0x80  }
0x36: {  	[sflag:s19] =	ssyncset.done $0x0  }
0x37: {  	s31 =	sadd.s32 $0x0, s16;
	[sflag:s19] =	ssyncadd.s32 $0xFFFFFF80  }
0x38: {  	[tilespmem:s20], [sflag:$0x2] =	stream.linear.gather [hbm4b:s31+s3], $0x80, $0x38;
	[tilespmem:$0xC100] =	vst v63  }
0x39: {  	_ =	swait.ge [sflag:s19], $0x80  }
0x3a: {  	[sflag:s19] =	ssyncset.done $0x0  }
0x3b: {  	[sflag:s19] =	ssyncadd.s32 $0xFFFFFF80  }
0x3c: {  	[tilespmem:s18], [sflag:$0x1] =	stream.indirect.gather [hbm4b:s4+s20], $0x40, s3, s20, $0xb8;
	[tilespmem:$0xC100] =	vst v63  }
0x3d: {  	_ =	swait.ge [sflag:s21], $0x2000  }
0x3e: {  	[sflag:s21] =	ssyncset.done $0x0  }
0x3f: {  	[sflag:s21] =	ssyncadd.s32 $0xFFFFE000  }
0x40: {  	[spmem:s2] =	stream.indirect.scatter.add.f32 [tilespmem:s18], [sflag:$0x2], $0x40, s20, s20, $0xb8;
	[tilespmem:$0xC100] =	vst v63  }
0x41: {  	_ =	swait.ge [sflag:s19], $0x2000  }
0x42: {  	s23 =	simm.s32 $0x10;
	s24 =	simm.s32 $0x20;
	[sflag:s19] =	ssyncset.done $0x0  }
.LBB2_4:
0x43: {  	s25 =	sadd.s32 s23, s17  }
0x44: {  	[sflag:s19] =	ssyncadd.s32 $0xFFFFE000;
	s26 =	smov.u32 s24;
	s28 =	sadd.s32 $0x10, s24  }
0x45: {  	[tilespmem:s3], [sflag:$0x2] =	stream.linear.gather [hbm4b:s25+s3], $0x80, $0x38;
	[tilespmem:$0xC100] =	vst v63  }
0x46: {  	p0 =	sne.s32 s24, $0x4F0;
	_ =	swait.ge [sflag:s19], $0x80  }
0x47: {  	[sflag:s19] =	ssyncset.done $0x0  }
0x48: {  	s24 =	sadd.s32 s23, s16;
	s23 =	smov.u32 s26;
	[sflag:s19] =	ssyncadd.s32 $0xFFFFFF80  }
0x49: {  	[tilespmem:s20], [sflag:$0x2] =	stream.linear.gather [hbm4b:s24+s3], $0x80, $0x38;
	[tilespmem:$0xC100] =	vst v63  }
0x4a: {  	_ =	swait.ge [sflag:s19], $0x80  }
0x4b: {  	[sflag:s19] =	ssyncset.done $0x0  }
0x4c: {  	[sflag:s19] =	ssyncadd.s32 $0xFFFFFF80  }
0x4d: {  	[tilespmem:s18], [sflag:$0x1] =	stream.indirect.gather [hbm4b:s4+s20], $0x40, s3, s20, $0xb8;
	[tilespmem:$0xC100] =	vst v63  }
0x4e: {  	_ =	swait.ge [sflag:s21], $0x2000  }
.Ltmp1:
0x4f: {  	[sflag:s21] =	ssyncset.done $0x0;
	(pc) =	sbr.rel @p0 .LBB2_4-.Ltmp1, $4  }
0x50: {  	[sflag:s21] =	ssyncadd.s32 $0xFFFFE000  }
0x51: {  	[spmem:s2] =	stream.indirect.scatter.add.f32 [tilespmem:s18], [sflag:$0x2], $0x40, s20, s20, $0xb8;
	[tilespmem:$0xC100] =	vst v63  }
0x52: {  	_ =	swait.ge [sflag:s19], $0x2000  }
0x53: {  	s24 =	smov.u32 s28;
	[sflag:s19] =	ssyncset.done $0x0  }
0x54: {  	s24 =	sadd.s32 s23, s17;
	[sflag:s19] =	ssyncadd.s32 $0xFFFFE000  }
0x55: {  	[tilespmem:s3], [sflag:$0x2] =	stream.linear.gather [hbm4b:s24+s3], $0x80, $0x38;
	[tilespmem:$0xC100] =	vst v63  }
0x56: {  	_ =	swait.ge [sflag:s19], $0x80  }
0x57: {  	[sflag:s19] =	ssyncset.done $0x0  }
0x58: {  	s24 =	sadd.s32 s23, s16;
	[sflag:s19] =	ssyncadd.s32 $0xFFFFFF80  }
0x59: {  	[tilespmem:s20], [sflag:$0x2] =	stream.linear.gather [hbm4b:s24+s3], $0x80, $0x38;
	[tilespmem:$0xC100] =	vst v63  }
0x5a: {  	_ =	swait.ge [sflag:s19], $0x80  }
0x5b: {  	[sflag:s19] =	ssyncset.done $0x0  }
0x5c: {  	[sflag:s19] =	ssyncadd.s32 $0xFFFFFF80  }
0x5d: {  	[tilespmem:s18], [sflag:$0x1] =	stream.indirect.gather [hbm4b:s4+s20], $0x40, s3, s20, $0xb8;
	[tilespmem:$0xC100] =	vst v63  }
0x5e: {  	_ =	swait.ge [sflag:s21], $0x2000  }
0x5f: {  	[sflag:s21] =	ssyncset.done $0x0  }
0x60: {  	[sflag:s21] =	ssyncadd.s32 $0xFFFFE000  }
0x61: {  	[spmem:s2] =	stream.indirect.scatter.add.f32 [tilespmem:s18], [sflag:$0x2], $0x40, s20, s20, $0xb8;
	[tilespmem:$0xC100] =	vst v63  }
0x62: {  	_ =	swait.ge [sflag:s19], $0x2000  }
0x63: {  	[sflag:s19] =	ssyncset.done $0x0  }
0x64: {  	s25 =	sshll.u32 s1, $0x6;
	[sflag:s19] =	ssyncadd.s32 $0xFFFFE000  }
0x65: {  	s26 =	sshrl.u32 s5, $0x3;
	s23 =	sor.u32 $0x1C02, s25;
	[bflag:$0x0] =	sbarrier.arrive $0xFFFF  }
0x66: {  	[hbm:s10], [sflag:s23] =	dma.local [spmem:s26], $0x400  }
0x67: {  	_ =	swait.ge [sflag:s19], $0x400  }
0x68: {  	[sflag:s19] =	ssyncset.done $0x0  }
0x69: {  	s28 =	sshrl.u32 s6, $0x3;
	[sflag:s19] =	ssyncadd.s32 $0xFFFFFC00  }
0x6a: {  	[hbm:s11], [sflag:s23] =	dma.local [spmem:s28], $0x400  }
0x6b: {  	_ =	swait.ge [sflag:s19], $0x400  }
0x6c: {  	[sflag:s19] =	ssyncset.done $0x0  }
0x6d: {  	s29 =	sshrl.u32 s7, $0x3;
	[sflag:s19] =	ssyncadd.s32 $0xFFFFFC00  }
0x6e: {  	[hbm:s12], [sflag:s23] =	dma.local [spmem:s29], $0x400  }
0x6f: {  	_ =	swait.ge [sflag:s19], $0x400  }
0x70: {  	[sflag:s19] =	ssyncset.done $0x0  }
0x71: {  	s30 =	sshrl.u32 s8, $0x3;
	[sflag:s19] =	ssyncadd.s32 $0xFFFFFC00  }
0x72: {  	[hbm:s13], [sflag:s23] =	dma.local [spmem:s30], $0x400  }
0x73: {  	s22 =	sadd.s32 $0x1, s22;
	_ =	swait.ge [sflag:s19], $0x400  }
0x74: {  	p0 =	sne.s32 s22, s15;
	[sflag:s19] =	ssyncset.done $0x0  }
.Ltmp2:
0x75: {  	s31 =	sshrl.u32 s9, $0x3;
	[sflag:s19] =	ssyncadd.s32 $0xFFFFFC00;
	(pc) =	sbr.rel @p0 .LBB2_1-.Ltmp2, $4  }
0x76: {  	[hbm:s14], [sflag:s23] =	dma.local [spmem:s31], $0x400  }
0x77: {  	_ =	swait.ge [sflag:s19], $0x400  }
0x78: {  	[sflag:s19] =	ssyncset.done $0x0  }
0x79: {  	[sflag:s19] =	ssyncadd.s32 $0xFFFFFC00  }
0x7a: {  	_ =	sfence.sel $0x180000  }
0x7b: {  	[bflag:$0x0] =	sbarrier.arrive $0xFFFF  }
0x7c: {  	p0 =	sne.s32 s1, $0x0;
	_ =	strace $0x9000004A  }
0x7d: {  	s0 =	sadd.s32 @!p0 $0x100000, s0;
	[bflag:$0x2] =	sbarrier.arrive $0xFFFF  }
0x7e: {  	[sflag:s0] =	ssyncadd.tile.s32 @!p0 $0x1;
	_ =	shalt  }
.Lfunc_end2:
_tile_overlayer_lowered:
.L_overlay_start_2:
0x7f: {  	(tag) =	ssettag $0x2  }
0x80: {  	s0 =	rddreg [dreg:$0x0];
	s2 =	stileid.u32  }
0x81: {  	s1 =	rddreg [dreg:$0x1];
	p0 =	sne.s32 s2, $0x0  }
0x82: {  	s3 =	rddreg [dreg:$0x2];
	[bflag:$0x3] =	sbarrier.arrive $0xFFFF;
	s2 =	simm.s32 @!p0 $0x1C02  }
0x83: {  	[timem:s3], [sflag:s2] =	dma.local @!p0 [hbm:s0], s1  }
0x84: {  	s0 =	simm.s32 @!p0 $0x2  }
0x85: {  	_ =	swait.ge @!p0 [sflag:s0], s1  }
0x86: {  	s1 =	ssub.s32 @!p0 $0x0, s1;
	[sflag:s0] =	ssyncset.done @!p0 $0x0  }
0x87: {  	[sflag:s0] =	ssyncadd.s32 @!p0 s1  }
0x88: {  	[bflag:$0x3] =	sbarrier.arrive $0xFFFF  }
0x89: {  	_ =	shalt  }

// kernel: kernel.7.cloned.1.call-start
scs
__scs_entry_jumppad:
0x0: {  	(pc) =	sbr.rel $0x88, $3  }
0x1: {  	(tag) =	ssettag $0x0;
	lr =	simm.s32 $0x1  }
0x2: {  	[smem:$0x3F97] =	sst lr;
	_ =	strace $0xD0000000  }
0x3: {  	_ = 	snop  }
0x4: {  	_ = 	snop  }
0x5: {  	_ = 	snop  }
0x6: {  	_ = 	snop  }
0x7: {  	_ = 	snop  }
__scs_overlays_trampoline_lowered:
0x8: {  	[smem:$0x3FA6] =	sst s0  }
0x9: {  	[smem:$0x3FA7] =	sst s1  }
0xa: {  	[smem:$0x3FA8] =	sst s2  }
0xb: {  	[smem:$0x3FA9] =	sst s3  }
0xc: {  	[smem:$0x3FAA] =	sst s4  }
0xd: {  	[smem:$0x3FAB] =	sst s5  }
0xe: {  	[smem:$0x3FAC] =	sst s6  }
0xf: {  	[smem:$0x3FAD] =	sst s7  }
0x10: {  	[smem:$0x3FAE] =	sst s8  }
0x11: {  	[smem:$0x3FAF] =	sst s9;
	s0 =	simm.s32 @!p0 $0x0  }
0x12: {  	s1 =	sld [smem:$0x3F95];
	s0 =	simm.s32 @p0 $0x1  }
0x13: {  	[smem:$0x3FB0] =	sst s0;
	s0 =	simm.s32 @!p1 $0x0  }
0x14: {  	s2 =	sld [smem:$0x3F94];
	s0 =	simm.s32 @p1 $0x1  }
0x15: {  	[smem:$0x3FB1] =	sst s0;
	s0 =	simm.s32 @!p2 $0x0  }
0x16: {  	s3 =	sld [smem:$0x3FDB];
	s0 =	simm.s32 @p2 $0x1  }
0x17: {  	s4 =	simm.s32 $0x1BF5;
	[smem:$0x3FB3] =	sst s0  }
0x18: {  	s0 =	sld [smem:$0x3F96];
	_ =	swait.ge [sflag:s4], $0x0  }
0x19: {  	s7 =	sld [smem:$0x3F97]  }
0x1a: {  	s8 =	sadd.s32 $0xFFFFE003, lr  }
0x1b: {  	s9 =	sadd.s32 $0xFFFFFEF7, lr;
	s5 =	simm.s32 $0xFFFFFFFF;
	p2 =	slt.u32 s8, $0xFFFFF086  }
0x1c: {  	p1 =	slt.u32 s9, $0xF7A;
	s5 =	simm.s32 @!p2 $0x0  }
0x1d: {  	s5 =	simm.s32 @p1 $0x1;
	p0 =	seq.s32 s7, s2  }
0x1e: {  	s7 =	smul.u32 @!p0 $0xF7A, s2;
	p2 =	seq.s32 @!p0 s5, $0x0  }
0x1f: {  	s9 =	smul.u32 $0xF7A, s1;
	s8 =	simm.s32 @!p0 $0x1BF5;
	p2 =	por !p2, p0  }
0x20: {  	[sflag:s8] =	ssyncset.s32 @!p0 $0xFFFFF086;
	s6 =	sadd.s32 @!p0 s3, s7;
	s7 =	simm.s32 @!p0 $0x108  }
0x21: {  	s3 =	sadd.s32 s3, s9;
	s6 =	sadd.s32 @!p0 $0x88, s6;
	s7 =	simm.s32 @p2 $0x1082  }
0x22: {  	[simem:s7], [sflag:s8] =	dma.local @!p0 [hbm:s6], $0xF7A  }
0x23: {  	s9 =	sor.u32 $0xD0000000, s2;
	s6 =	simm.s32 $0x108;
	_ =	swait.ge @!p0 [sflag:s8], $0x0  }
0x24: {  	s3 =	sadd.s32 $0x88, s3;
	s6 =	simm.s32 @!p1 $0x1082;
	[sflag:s4] =	ssyncset.s32 $0xFFFFF086  }
0x25: {  	[simem:s6], [sflag:s4] =	dma.local [hbm:s3], $0xF7A  }
0x26: {  	[smem:$0x3F97] =	sst s1;
	(tag) =	ssettag s2;
	_ =	strace s9  }
0x27: {  	s1 =	sld [smem:$0x3FA7]  }
0x28: {  	s2 =	sld [smem:$0x3FA8]  }
0x29: {  	s4 =	sld [smem:$0x3FAA]  }
0x2a: {  	p0 =	seq.s32 s5, $0x0;
	s5 =	sld [smem:$0x3FAB]  }
0x2b: {  	s6 =	sld [smem:$0x3FAC]  }
0x2c: {  	s7 =	sld [smem:$0x3FAD]  }
0x2d: {  	s3 =	simm.s32 $0x108;
	s8 =	sld [smem:$0x3FAE]  }
0x2e: {  	s3 =	simm.s32 @!p0 $0x1082;
	s9 =	sld [smem:$0x3FAF]  }
0x2f: {  	lr =	sadd.s32 s0, s3;
	s0 =	sld [smem:$0x3FA6]  }
0x30: {  	s3 =	sld [smem:$0x3FA9]  }
0x31: {  	[smem:$0x3FB2] =	sst s10  }
0x32: {  	s10 =	sld [smem:$0x3FB0];
	_ =	sdelay $0x3  }
0x33: {  	p0 =	seq.s32 s10, $0x1;
	s10 =	sld [smem:$0x3FB2];
	_ =	sdelay $0x3  }
0x34: {  	[smem:$0x3FB2] =	sst s10  }
0x35: {  	s10 =	sld [smem:$0x3FB1];
	_ =	sdelay $0x3  }
0x36: {  	p1 =	seq.s32 s10, $0x1;
	s10 =	sld [smem:$0x3FB2];
	_ =	sdelay $0x3  }
0x37: {  	[smem:$0x3FB2] =	sst s10  }
0x38: {  	s10 =	sld [smem:$0x3FB3]  }
0x39: {  	_ = 	snop;
	(pc) =	sbr.ind lr, $3  }
0x3a: {  	_ = 	snop  }
0x3b: {  	_ = 	snop  }
0x3c: {  	p2 =	seq.s32 s10, $0x1;
	s10 =	sld [smem:$0x3FB2]  }
0x3d: {  	_ =	shalt  }
0x3e: {  	_ =	shalt  }
0x3f: {  	_ =	shalt  }
0x40: {  	_ =	shalt  }
0x41: {  	_ =	shalt  }
0x42: {  	_ =	shalt  }
0x43: {  	_ =	shalt  }
0x44: {  	_ =	shalt  }
0x45: {  	_ =	shalt  }
0x46: {  	_ =	shalt  }
0x47: {  	_ =	shalt  }
0x48: {  	_ =	shalt  }
0x49: {  	_ =	shalt  }
0x4a: {  	_ =	shalt  }
0x4b: {  	_ =	shalt  }
0x4c: {  	_ =	shalt  }
0x4d: {  	_ =	shalt  }
0x4e: {  	_ =	shalt  }
0x4f: {  	_ =	shalt  }
0x50: {  	_ =	shalt  }
0x51: {  	_ =	shalt  }
0x52: {  	_ =	shalt  }
0x53: {  	_ =	shalt  }
0x54: {  	_ =	shalt  }
0x55: {  	_ =	shalt  }
0x56: {  	_ =	shalt  }
0x57: {  	_ =	shalt  }
0x58: {  	_ =	shalt  }
0x59: {  	_ =	shalt  }
0x5a: {  	_ =	shalt  }
0x5b: {  	_ =	shalt  }
0x5c: {  	_ =	shalt  }
0x5d: {  	_ =	shalt  }
0x5e: {  	_ =	shalt  }
0x5f: {  	_ =	shalt  }
0x60: {  	_ =	shalt  }
0x61: {  	_ =	shalt  }
0x62: {  	_ =	shalt  }
0x63: {  	_ =	shalt  }
0x64: {  	_ =	shalt  }
0x65: {  	_ =	shalt  }
0x66: {  	_ =	shalt  }
0x67: {  	_ =	shalt  }
0x68: {  	_ =	shalt  }
0x69: {  	_ =	shalt  }
0x6a: {  	_ =	shalt  }
0x6b: {  	_ =	shalt  }
0x6c: {  	_ =	shalt  }
0x6d: {  	_ =	shalt  }
0x6e: {  	_ =	shalt  }
0x6f: {  	_ =	shalt  }
0x70: {  	_ =	shalt  }
0x71: {  	_ =	shalt  }
0x72: {  	_ =	shalt  }
0x73: {  	_ =	shalt  }
0x74: {  	_ =	shalt  }
0x75: {  	_ =	shalt  }
0x76: {  	_ =	shalt  }
0x77: {  	_ =	shalt  }
0x78: {  	_ =	shalt  }
0x79: {  	_ =	shalt  }
0x7a: {  	_ =	shalt  }
0x7b: {  	_ =	shalt  }
0x7c: {  	_ =	shalt  }
0x7d: {  	_ =	shalt  }
0x7e: {  	_ =	shalt  }
0x7f: {  	_ =	shalt  }
0x80: {  	_ =	shalt  }
0x81: {  	_ =	shalt  }
0x82: {  	_ =	shalt  }
0x83: {  	_ =	shalt  }
0x84: {  	_ =	shalt  }
0x85: {  	_ =	shalt  }
0x86: {  	_ =	shalt  }
0x87: {  	_ =	shalt  }
.Lfunc_end0:
.L_simem_size_0:
called_computation_lowered:
.L_overlay_start_0:
0x88: {  	s2 =	sld [smem:$0x3FD9]  }
0x89: {  	s3 =	sld [smem:$0x3FFE];
	_ =	sdelay $0x1  }
0x8a: {  	s1 =	srdreg.scid  }
0x8b: {  	s0 =	sand.u32 $0x1, s1  }
0x8c: {  	s16 =	sshll.u32 s0, $0xA;
	s2 =	sadd.s32 s3, s2  }
0x8d: {  	s2 =	sadd.s32 s2, s16  }
0x8e: {  	[smem:$0x3FBE] =	sst s2  }
0x8f: {  	_ = 	snop  }
0x90: {  	(tm) =	ssettm $0x1  }
0x91: {  	s17 =	sld [smem:$0x3FFB];
	_ =	sdelay $0x3  }
0x92: {  	_ =	strace s17  }
0x93: {  	s2 =	sld [smem:$0x3FFC];
	_ =	sdelay $0x3  }
0x94: {  	_ =	strace s2  }
0x95: {  	s2 =	sld [smem:$0x3FFD];
	_ =	sdelay $0x3  }
0x96: {  	_ =	strace s2  }
0x97: {  	_ =	strace $0x8FFFFFFF  }
0x98: {  	s18 =	sld [smem:$0x3FDB];
	_ =	sdelay $0x1  }
0x99: {  	s19 =	simm.s32 $_scs_section_size  }
0x9a: {  	s4 =	simm.s32 $_size__tile_overlayer_lowered;
	s5 =	simm.s32 $_tile_overlayer_lowered  }
0x9b: {  	s22 =	simm.s32 $0x1BFF;
	s21 =	sshll.u32 s5, $0x1;
	s2 =	sadd.s32 s19, s18  }
0x9c: {  	s6 =	simm.s32 $0x0;
	s20 =	sshll.u32 s4, $0x1;
	s4 =	sadd.s32 s21, s2  }
0x9d: {  	[timem:s6], [sflag:s22] =	dma.local [hbm:s4], s20  }
0x9e: {  	_ =	swait.ge [sflag:s22], s20  }
0x9f: {  	s3 =	ssub.s32 $0x0, s20;
	[sflag:s22] =	ssyncset.done $0x0  }
0xa0: {  	[sflag:s22] =	ssyncadd.s32 s3;
	_ =	sdelay $0x1  }
0xa1: {  	s23 =	simm.s32 $0x1B8B  }
0xa2: {  	_ =	swait.ge [sflag:s23], $0x1  }
0xa3: {  	[sflag:s23] =	ssyncset.done $0x0  }
0xa4: {  	s25 =	simm.s32 $0x1B8E;
	s24 =	sld [smem:$0x3FFE];
	[sflag:s23] =	ssyncadd.s32 $0xFFFFFFFF  }
0xa5: {  	s26 =	simm.s32 $execute0_lowered;
	[smem:$0x3FD2] =	sst s25  }
0xa6: {  	s4 =	sshll.u32 s26, $0x1;
	_ =	strace $0x80000046;
	[dreg:$0x1] =	wrdreg $0xFFFFFFFF  }
0xa7: {  	s28 =	simm.s32 $_size_execute0_lowered;
	s2 =	sadd.s32 s2, s4;
	[dreg:$0x0] =	wrdreg $0x0  }
0xa8: {  	s4 =	sshll.u32 s28, $0x1;
	[dreg:$0x2] =	wrdreg s2  }
0xa9: {  	[dreg:$0x3] =	wrdreg s4  }
0xaa: {  	[dreg:$0x4] =	wrdreg $0xC0  }
0xab: {  	_ =	task [dreg:s6], $0x5FFFF  }
0xac: {  	[dreg:$0x1] =	wrdreg $0xFFFFFFFF  }
0xad: {  	[dreg:$0x0] =	wrdreg $0x60  }
0xae: {  	[dreg:$0x2] =	wrdreg s24  }
0xaf: {  	[dreg:$0x3] =	wrdreg $0x44000  }
0xb0: {  	[dreg:$0x4] =	wrdreg $0x184000  }
0xb1: {  	[dreg:$0x5] =	wrdreg $0x9  }
0xb2: {  	_ =	task.clear_ibuf [dreg:s6], $0x6FFFF;
	_ =	strace $0x90000046  }
0xb3: {  	s29 =	simm.s32 $0x9;
	_ =	strace $0x80000048  }
0xb4: {  	_ =	swait.ge [sflag:s29], $0x1  }
0xb5: {  	[sflag:s29] =	ssyncadd.s32 $0xFFFFFFFF  }
0xb6: {  	_ =	strace $0x90000048  }
0xb7: {  	_ =	sfence  }
0xb8: {  	s30 =	sld [smem:$0x0];
	_ =	sdelay $0x2  }
0xb9: {  	s31 =	sshll.u32 s1, $0xD;
	s1 =	sshrl.u32 s1, $0x2  }
0xba: {  	s3 =	sand.u32 $0x4000, s31;
	s1 =	sadd.s32 s1, s30  }
0xbb: {  	s0 =	sor.u32 s3, s0;
	s1 =	sshll.u32 s1, $0x11  }
0xbc: {  	s0 =	sor.u32 s1, s0  }
0xbd: {  	s0 =	sadd.s32 $0x8F2B, s0  }
0xbe: {  	[sflag:s0] =	ssyncadd.remote.s32 $0x1  }
0xbf: {  	_ =	sfence.sel $0xFFFF  }
0xc0: {  	[dreg:$0x0] =	wrdreg $0xFFFFFFFF;
	(pc) =	sbr.abs _section_cstart, $3  }
0xc1: {  	[dreg:$0x1] =	wrdreg $0xFFFFFFFF  }
0xc2: {  	_ =	task.clear_ibuf [dreg:s6], $0x2FFFF;
	_ =	strace $0x9FFFFFFF  }
0xc3: {  	(tm) =	ssettm $0x7FFFFFFF  }
tec
execute0_lowered:
.L_overlay_start_1:
0x0: {  	(tag) =	ssettag $0x1  }
0x1: {  	s0 =	srdreg.scid;
	s6 =	rddreg [dreg:$0x0]  }
0x2: {  	s25 =	stileid.u32;
	s2 =	rddreg [dreg:$0x1]  }
0x3: {  	s3 =	rddreg [dreg:$0x2];
	s4 =	simm.s32 $0x0;
	s23 =	simm.s32 $0x4100  }
0x4: {  	s24 =	simm.s32 $0x80;
	s28 =	simm.s32 $0x0;
	s5 =	smul.u32 $0x5000, s25  }
0x5: {  	s7 =	sand.u32 $0x1, s0;
	[smem:$0x7FF] =	sst s4;
	s11 =	smul.u32 $0x280, s25  }
0x6: {  	s10 =	smul.u32 $0x14000, s25;
	s16 =	sadd.s32 $0x3D600, s6;
	s25 =	simm.s32 $0x1  }
0x7: {  	s8 =	smul.u32 $0x2800, s7;
	_ =	strace $0x80000047;
	s26 =	ssub.s32 $0x2, s7  }
0x8: {  	s15 =	smul.u32 $0x140000, s7;
	s12 =	sshrl.u32 s26, $0x1;
	s29 =	sadd.s32 $0x4000, s10  }
0x9: {  	s14 =	sadd.s32 $0x8000, s10;
	s19 =	sadd.s32 $0xC000, s10;
	s21 =	sadd.s32 $0x10000, s10  }
0xa: {  	s5 =	sadd.s32 s8, s5;
	s8 =	sadd.s32 s11, s8;
	s18 =	ssub.s32 s26, s12  }
0xb: {  	s7 =	sadd.s32 s29, s2;
	s13 =	sadd.s32 s10, s15;
	s22 =	sadd.s32 s15, s29  }
0xc: {  	s11 =	sadd.s32 s11, s3;
	s26 =	simm.s32 $0x4380;
	s9 =	sshrl.u32 s5, $0x3  }
0xd: {  	s5 =	sadd.s32 $0x15A00, s6;
	s8 =	sshrl.u32 s8, $0x3;
	s13 =	sshrl.u32 s13, $0x3  }
0xe: {  	s30 =	sshrl.u32 s22, $0x3;
	s18 =	smax.u32 s18, $0x1;
	s22 =	simm.s32 $0x2  }
0xf: {  	s20 =	sadd.s32 s9, s6;
	s17 =	sadd.s32 s8, s6;
	s6 =	sadd.s32 s10, s2  }
0x10: {  	s8 =	sadd.s32 s14, s2;
	s9 =	sadd.s32 s19, s2;
	s10 =	sadd.s32 s21, s2  }
0x11: {  	s12 =	sadd.s32 s16, s13;
	s13 =	sadd.s32 s16, s30;
	s14 =	sadd.s32 s15, s14  }
0x12: {  	s19 =	sadd.s32 s15, s19;
	s21 =	sadd.s32 s15, s21;
	s14 =	sshrl.u32 s14, $0x3  }
0x13: {  	s19 =	sshrl.u32 s19, $0x3;
	s31 =	sshrl.u32 s21, $0x3;
	s17 =	sadd.s32 $0x3CC00, s17  }
0x14: {  	s21 =	simm.s32 $0x100;
	s14 =	sadd.s32 s16, s14;
	s15 =	sadd.s32 s16, s19  }
0x15: {  	v0 =	vimm.f32 $0.0e+00;
	v1 =	vimm.f32 $1.000000000e+00;
	s16 =	sadd.s32 s16, s31;
	s19 =	sadd.s32 $0x1A00, s20;
	s20 =	sadd.s32 $0xBA00, s20  }
.LBB2_1:
0x16: {  	s29 =	simm.s32 $0x0;
	s30 =	simm.s32 $0x200  }
.LBB2_2:
0x17: {  	p0 =	sne.s32 s30, $0xFE00;
	[tilespmem:s29+$0x170] =	vst v0  }
0x18: {  	[tilespmem:s29+$0x100] =	vst v0  }
0x19: {  	[tilespmem:s29+$0x110] =	vst v0  }
.Ltmp0:
0x1a: {  	[tilespmem:s29+$0x120] =	vst v0;
	(pc) =	sbr.rel @p0 .LBB2_2-.Ltmp0, $4  }
0x1b: {  	[tilespmem:s29+$0x130] =	vst v0  }
0x1c: {  	[tilespmem:s29+$0x140] =	vst v0  }
0x1d: {  	[tilespmem:s29+$0x150] =	vst v0  }
0x1e: {  	[tilespmem:s29+$0x160] =	vst v0;
	s29 =	sshra.s32 s30, $0x2;
	s30 =	sadd.s32 $0x200, s30  }
0x1f: {  	[tilespmem:s29+$0x170] =	vst v0  }
0x20: {  	[tilespmem:s29+$0x100] =	vst v0  }
0x21: {  	[tilespmem:s29+$0x110] =	vst v0  }
0x22: {  	[tilespmem:s29+$0x120] =	vst v0  }
0x23: {  	[tilespmem:s29+$0x130] =	vst v0  }
0x24: {  	[tilespmem:s29+$0x140] =	vst v0  }
0x25: {  	[tilespmem:s29+$0x150] =	vst v0  }
0x26: {  	[tilespmem:s29+$0x160] =	vst v0  }
0x27: {  	[tilespmem:$0x4100] =	vst v0  }
0x28: {  	[tilespmem:$0x4110] =	vst v0  }
0x29: {  	[tilespmem:$0x4120] =	vst v0  }
0x2a: {  	[tilespmem:$0x4130] =	vst v0  }
0x2b: {  	[tilespmem:$0x4140] =	vst v0  }
0x2c: {  	[tilespmem:$0x4150] =	vst v0  }
0x2d: {  	[tilespmem:$0x4160] =	vst v0  }
0x2e: {  	[tilespmem:$0x4170] =	vst v0  }
0x2f: {  	[tilespmem:$0x4180] =	vst v0  }
0x30: {  	[tilespmem:$0x4190] =	vst v0  }
0x31: {  	[tilespmem:$0x41A0] =	vst v0  }
0x32: {  	[tilespmem:$0x41B0] =	vst v0  }
0x33: {  	[tilespmem:$0x41C0] =	vst v0  }
0x34: {  	[tilespmem:$0x41D0] =	vst v0  }
0x35: {  	[tilespmem:$0x41E0] =	vst v0  }
0x36: {  	[tilespmem:$0x41F0] =	vst v0  }
0x37: {  	[tilespmem:$0x4200] =	vst v0  }
0x38: {  	[tilespmem:$0x4210] =	vst v0  }
0x39: {  	[tilespmem:$0x4220] =	vst v0  }
0x3a: {  	[tilespmem:$0x4230] =	vst v0  }
0x3b: {  	[tilespmem:$0x4240] =	vst v0  }
0x3c: {  	[tilespmem:$0x4250] =	vst v0  }
0x3d: {  	[tilespmem:$0x4260] =	vst v0  }
0x3e: {  	[tilespmem:$0x4270] =	vst v0  }
0x3f: {  	[tilespmem:$0x4280] =	vst v0  }
0x40: {  	[tilespmem:$0x4290] =	vst v0  }
0x41: {  	[tilespmem:$0x42A0] =	vst v0  }
0x42: {  	[tilespmem:$0x42B0] =	vst v0  }
0x43: {  	[tilespmem:$0x42C0] =	vst v0  }
0x44: {  	[tilespmem:$0x42D0] =	vst v0  }
0x45: {  	[tilespmem:$0x42E0] =	vst v0  }
0x46: {  	[tilespmem:$0x42F0] =	vst v0  }
0x47: {  	[tilespmem:$0x4300] =	vst v0  }
0x48: {  	[tilespmem:$0x4310] =	vst v0  }
0x49: {  	[tilespmem:$0x4320] =	vst v0  }
0x4a: {  	[tilespmem:$0x4330] =	vst v0  }
0x4b: {  	[tilespmem:$0x4340] =	vst v0  }
0x4c: {  	[tilespmem:$0x4350] =	vst v0  }
0x4d: {  	[tilespmem:$0x4360] =	vst v0  }
0x4e: {  	[tilespmem:$0x4370] =	vst v0  }
0x4f: {  	[tilespmem:$0x4380] =	vst v1  }
0x50: {  	[tilespmem:$0x4390] =	vst v1  }
0x51: {  	[tilespmem:$0x43A0] =	vst v1  }
0x52: {  	[tilespmem:$0x43B0] =	vst v1  }
0x53: {  	[tilespmem:$0x43C0] =	vst v1  }
0x54: {  	[tilespmem:$0x43D0] =	vst v1  }
0x55: {  	[tilespmem:$0x43E0] =	vst v1  }
0x56: {  	[tilespmem:$0x43F0] =	vst v1  }
0x57: {  	[spmem:s6] =	stream.linear.scatter [tilespmem:s21], [sflag:$0x2], $0x4000, $0x38;
	[tilespmem:$0x18680] =	vst v63  }
0x58: {  	_ =	swait.ge [sflag:s22], $0x4000  }
0x59: {  	[sflag:s22] =	ssyncset.done $0x0  }
0x5a: {  	[sflag:s22] =	ssyncadd.s32 $0xFFFFC000  }
0x5b: {  	[spmem:s7] =	stream.linear.scatter [tilespmem:s21], [sflag:$0x2], $0x4000, $0x38;
	[tilespmem:$0x18680] =	vst v63  }
0x5c: {  	_ =	swait.ge [sflag:s22], $0x4000  }
0x5d: {  	[sflag:s22] =	ssyncset.done $0x0  }
0x5e: {  	[sflag:s22] =	ssyncadd.s32 $0xFFFFC000  }
0x5f: {  	[spmem:s8] =	stream.linear.scatter [tilespmem:s21], [sflag:$0x2], $0x4000, $0x38;
	[tilespmem:$0x18680] =	vst v63  }
0x60: {  	_ =	swait.ge [sflag:s22], $0x4000  }
0x61: {  	[sflag:s22] =	ssyncset.done $0x0  }
0x62: {  	[sflag:s22] =	ssyncadd.s32 $0xFFFFC000  }
0x63: {  	[spmem:s9] =	stream.linear.scatter [tilespmem:s21], [sflag:$0x2], $0x4000, $0x38;
	[tilespmem:$0x18680] =	vst v63  }
0x64: {  	_ =	swait.ge [sflag:s22], $0x4000  }
0x65: {  	[sflag:s22] =	ssyncset.done $0x0  }
0x66: {  	[sflag:s22] =	ssyncadd.s32 $0xFFFFC000  }
0x67: {  	[spmem:s10] =	stream.linear.scatter [tilespmem:s21], [sflag:$0x2], $0x4000, $0x38;
	[tilespmem:$0x18680] =	vst v63  }
0x68: {  	_ =	swait.ge [sflag:s22], $0x4000  }
0x69: {  	[sflag:s22] =	ssyncset.done $0x0  }
0x6a: {  	[sflag:s22] =	ssyncadd.s32 $0xFFFFC000  }
0x6b: {  	[spmem:s11] =	stream.linear.scatter [tilespmem:s23], [sflag:$0x2], $0x280, $0x38;
	[tilespmem:$0x18680] =	vst v63  }
0x6c: {  	_ =	swait.ge [sflag:s22], $0x280  }
0x6d: {  	[sflag:s22] =	ssyncset.done $0x0  }
0x6e: {  	[sflag:s22] =	ssyncadd.s32 $0xFFFFFD80  }
0x6f: {  	s29 =	sadd.s32 $0x0, s20;
	[bflag:$0x0] =	sbarrier.arrive $0xFFFF  }
0x70: {  	[tilespmem:s4], [sflag:$0x2] =	stream.linear.gather [hbm4b:s29+s4], $0x80, $0x38;
	[tilespmem:$0x18680] =	vst v63  }
0x71: {  	_ =	swait.ge [sflag:s22], $0x80  }
0x72: {  	[sflag:s22] =	ssyncset.done $0x0  }
0x73: {  	s29 =	sadd.s32 $0x0, s19;
	[sflag:s22] =	ssyncadd.s32 $0xFFFFFF80  }
0x74: {  	[tilespmem:s24], [sflag:$0x2] =	stream.linear.gather [hbm4b:s29+s4], $0x80, $0x38;
	[tilespmem:$0x18680] =	vst v63  }
0x75: {  	_ =	swait.ge [sflag:s22], $0x80  }
0x76: {  	[sflag:s22] =	ssyncset.done $0x0  }
0x77: {  	[sflag:s22] =	ssyncadd.s32 $0xFFFFFF80  }
0x78: {  	[tilespmem:s21], [sflag:$0x1] =	stream.indirect.gather [hbm4b:s5+s24], $0x80, s4, s24, $0xb8;
	[tilespmem:$0x18680] =	vst v63  }
0x79: {  	_ =	swait.ge [sflag:s25], $0x4000  }
0x7a: {  	[sflag:s25] =	ssyncset.done $0x0  }
0x7b: {  	[sflag:s25] =	ssyncadd.s32 $0xFFFFC000  }
0x7c: {  	[spmem:s2] =	stream.indirect.scatter.add.f32 [tilespmem:s21], [sflag:$0x2], $0x80, s24, s24, $0xb8;
	[tilespmem:$0x18680] =	vst v63  }
0x7d: {  	_ =	swait.ge [sflag:s22], $0x4000  }
0x7e: {  	[sflag:s22] =	ssyncset.done $0x0  }
0x7f: {  	[sflag:s22] =	ssyncadd.s32 $0xFFFFC000  }
0x80: {  	[spmem:s3] =	stream.indirect.scatter.add.f32 [tilespmem:s26], [sflag:$0x2], $0x1, s24, s24, $0xb8;
	[tilespmem:$0x18680] =	vst v63  }
0x81: {  	_ =	swait.ge [sflag:s22], $0x80  }
0x82: {  	s30 =	simm.s32 $0x20;
	s29 =	simm.s32 $0x10;
	[sflag:s22] =	ssyncset.done $0x0  }
.LBB2_4:
0x83: {  	s31 =	sadd.s32 s29, s20  }
0x84: {  	[sflag:s22] =	ssyncadd.s32 $0xFFFFFF80;
	s1 =	smov.u32 s30;
	s0 =	sadd.s32 $0x10, s30  }
0x85: {  	[tilespmem:s4], [sflag:$0x2] =	stream.linear.gather [hbm4b:s31+s4], $0x80, $0x38;
	[tilespmem:$0x18680] =	vst v63  }
0x86: {  	p0 =	sne.s32 s30, $0x4F0;
	_ =	swait.ge [sflag:s22], $0x80  }
0x87: {  	[sflag:s22] =	ssyncset.done $0x0  }
0x88: {  	s30 =	sadd.s32 s29, s19;
	s29 =	smov.u32 s1;
	[sflag:s22] =	ssyncadd.s32 $0xFFFFFF80  }
0x89: {  	[tilespmem:s24], [sflag:$0x2] =	stream.linear.gather [hbm4b:s30+s4], $0x80, $0x38;
	[tilespmem:$0x18680] =	vst v63  }
0x8a: {  	_ =	swait.ge [sflag:s22], $0x80  }
0x8b: {  	[sflag:s22] =	ssyncset.done $0x0  }
0x8c: {  	[sflag:s22] =	ssyncadd.s32 $0xFFFFFF80  }
0x8d: {  	[tilespmem:s21], [sflag:$0x1] =	stream.indirect.gather [hbm4b:s5+s24], $0x80, s4, s24, $0xb8;
	[tilespmem:$0x18680] =	vst v63  }
0x8e: {  	_ =	swait.ge [sflag:s25], $0x4000  }
0x8f: {  	[sflag:s25] =	ssyncset.done $0x0  }
0x90: {  	[sflag:s25] =	ssyncadd.s32 $0xFFFFC000  }
0x91: {  	[spmem:s2] =	stream.indirect.scatter.add.f32 [tilespmem:s21], [sflag:$0x2], $0x80, s24, s24, $0xb8;
	[tilespmem:$0x18680] =	vst v63  }
0x92: {  	_ =	swait.ge [sflag:s22], $0x4000  }
.Ltmp1:
0x93: {  	[sflag:s22] =	ssyncset.done $0x0;
	(pc) =	sbr.rel @p0 .LBB2_4-.Ltmp1, $4  }
0x94: {  	[sflag:s22] =	ssyncadd.s32 $0xFFFFC000  }
0x95: {  	[spmem:s3] =	stream.indirect.scatter.add.f32 [tilespmem:s26], [sflag:$0x2], $0x1, s24, s24, $0xb8;
	[tilespmem:$0x18680] =	vst v63  }
0x96: {  	_ =	swait.ge [sflag:s22], $0x80  }
0x97: {  	s30 =	smov.u32 s0;
	[sflag:s22] =	ssyncset.done $0x0  }
0x98: {  	s0 =	sadd.s32 s29, s20;
	[sflag:s22] =	ssyncadd.s32 $0xFFFFFF80  }
0x99: {  	[tilespmem:s4], [sflag:$0x2] =	stream.linear.gather [hbm4b:s0+s4], $0x80, $0x38;
	[tilespmem:$0x18680] =	vst v63  }
0x9a: {  	_ =	swait.ge [sflag:s22], $0x80  }
0x9b: {  	[sflag:s22] =	ssyncset.done $0x0  }
0x9c: {  	s1 =	sadd.s32 s29, s19;
	[sflag:s22] =	ssyncadd.s32 $0xFFFFFF80  }
0x9d: {  	[tilespmem:s24], [sflag:$0x2] =	stream.linear.gather [hbm4b:s1+s4], $0x80, $0x38;
	[tilespmem:$0x18680] =	vst v63  }
0x9e: {  	_ =	swait.ge [sflag:s22], $0x80  }
0x9f: {  	[sflag:s22] =	ssyncset.done $0x0  }
0xa0: {  	[sflag:s22] =	ssyncadd.s32 $0xFFFFFF80  }
0xa1: {  	[tilespmem:s21], [sflag:$0x1] =	stream.indirect.gather [hbm4b:s5+s24], $0x80, s4, s24, $0xb8;
	[tilespmem:$0x18680] =	vst v63  }
0xa2: {  	_ =	swait.ge [sflag:s25], $0x4000  }
0xa3: {  	[sflag:s25] =	ssyncset.done $0x0  }
0xa4: {  	[sflag:s25] =	ssyncadd.s32 $0xFFFFC000  }
0xa5: {  	[spmem:s2] =	stream.indirect.scatter.add.f32 [tilespmem:s21], [sflag:$0x2], $0x80, s24, s24, $0xb8;
	[tilespmem:$0x18680] =	vst v63  }
0xa6: {  	_ =	swait.ge [sflag:s22], $0x4000  }
0xa7: {  	[sflag:s22] =	ssyncset.done $0x0  }
0xa8: {  	[sflag:s22] =	ssyncadd.s32 $0xFFFFC000  }
0xa9: {  	[spmem:s3] =	stream.indirect.scatter.add.f32 [tilespmem:s26], [sflag:$0x2], $0x1, s24, s24, $0xb8;
	[tilespmem:$0x18680] =	vst v63  }
0xaa: {  	_ =	swait.ge [sflag:s22], $0x80  }
0xab: {  	s29 =	stileid.u32;
	[sflag:s22] =	ssyncset.done $0x0  }
0xac: {  	s0 =	sshll.u32 s29, $0x6;
	[sflag:s22] =	ssyncadd.s32 $0xFFFFFF80  }
0xad: {  	s0 =	sor.u32 $0x1C02, s0;
	s1 =	sshrl.u32 s6, $0x3;
	[bflag:$0x0] =	sbarrier.arrive $0xFFFF  }
0xae: {  	[hbm:s12], [sflag:s0] =	dma.local [spmem:s1], $0x800  }
0xaf: {  	_ =	swait.ge [sflag:s22], $0x800  }
0xb0: {  	[sflag:s22] =	ssyncset.done $0x0  }
0xb1: {  	s30 =	sshrl.u32 s7, $0x3;
	[sflag:s22] =	ssyncadd.s32 $0xFFFFF800  }
0xb2: {  	[hbm:s13], [sflag:s0] =	dma.local [spmem:s30], $0x800  }
0xb3: {  	_ =	swait.ge [sflag:s22], $0x800  }
0xb4: {  	[sflag:s22] =	ssyncset.done $0x0  }
0xb5: {  	s31 =	sshrl.u32 s8, $0x3;
	[sflag:s22] =	ssyncadd.s32 $0xFFFFF800  }
0xb6: {  	[hbm:s14], [sflag:s0] =	dma.local [spmem:s31], $0x800  }
0xb7: {  	_ =	swait.ge [sflag:s22], $0x800  }
0xb8: {  	[sflag:s22] =	ssyncset.done $0x0  }
0xb9: {  	s29 =	sshrl.u32 s9, $0x3;
	[sflag:s22] =	ssyncadd.s32 $0xFFFFF800  }
0xba: {  	[hbm:s15], [sflag:s0] =	dma.local [spmem:s29], $0x800  }
0xbb: {  	_ =	swait.ge [sflag:s22], $0x800  }
0xbc: {  	[sflag:s22] =	ssyncset.done $0x0  }
0xbd: {  	s30 =	sshrl.u32 s10, $0x3;
	[sflag:s22] =	ssyncadd.s32 $0xFFFFF800  }
0xbe: {  	[hbm:s16], [sflag:s0] =	dma.local [spmem:s30], $0x800  }
0xbf: {  	s28 =	sadd.s32 $0x1, s28;
	_ =	swait.ge [sflag:s22], $0x800  }
0xc0: {  	p0 =	sne.s32 s28, s18;
	[sflag:s22] =	ssyncset.done $0x0  }
.Ltmp2:
0xc1: {  	s31 =	sshrl.u32 s11, $0x3;
	[sflag:s22] =	ssyncadd.s32 $0xFFFFF800;
	(pc) =	sbr.rel @p0 .LBB2_1-.Ltmp2, $4  }
0xc2: {  	[hbm:s17], [sflag:s0] =	dma.local [spmem:s31], $0x50  }
0xc3: {  	_ =	swait.ge [sflag:s22], $0x50  }
0xc4: {  	[sflag:s22] =	ssyncset.done $0x0  }
0xc5: {  	[sflag:s22] =	ssyncadd.s32 $0xFFFFFFB0  }
0xc6: {  	_ =	sfence.sel $0x180000  }
0xc7: {  	[bflag:$0x0] =	sbarrier.arrive $0xFFFF  }
0xc8: {  	_ =	strace $0x90000047  }
0xc9: {  	s0 =	stileid.u32;
	[bflag:$0x2] =	sbarrier.arrive $0xFFFF  }
0xca: {  	p0 =	sne.s32 s0, $0x0;
	s0 =	rddreg [dreg:$0x3]  }
0xcb: {  	s0 =	sadd.s32 @!p0 $0x100000, s0  }
0xcc: {  	[sflag:s0] =	ssyncadd.tile.s32 @!p0 $0x1;
	_ =	shalt  }
.Lfunc_end2:
_tile_overlayer_lowered:
.L_overlay_start_2:
0xcd: {  	(tag) =	ssettag $0x2  }
0xce: {  	s0 =	rddreg [dreg:$0x0];
	s2 =	stileid.u32  }
0xcf: {  	s1 =	rddreg [dreg:$0x1];
	p0 =	sne.s32 s2, $0x0  }
0xd0: {  	s3 =	rddreg [dreg:$0x2];
	[bflag:$0x3] =	sbarrier.arrive $0xFFFF;
	s2 =	simm.s32 @!p0 $0x1C02  }
0xd1: {  	[timem:s3], [sflag:s2] =	dma.local @!p0 [hbm:s0], s1  }
0xd2: {  	s0 =	simm.s32 @!p0 $0x2  }
0xd3: {  	_ =	swait.ge @!p0 [sflag:s0], s1  }
0xd4: {  	s1 =	ssub.s32 @!p0 $0x0, s1;
	[sflag:s0] =	ssyncset.done @!p0 $0x0  }
0xd5: {  	[sflag:s0] =	ssyncadd.s32 @!p0 s1  }
0xd6: {  	[bflag:$0x3] =	sbarrier.arrive $0xFFFF  }
0xd7: {  	_ =	shalt  }

</sc_bundles>
